<compile_context>
chip_gen: v7x
topology: tpu7x:2x2x1
jax: 0.10.2.dev20260603
libtpu: 0.0.44.dev20260713+nightly
codegen_flags: <defaults>
</compile_context>

<pallas_src>
import functools

import jax
import jax.numpy as jnp
from jax import lax
from jax.experimental import pallas as pl
from jax.experimental.pallas import tpu as pltpu
from jax.experimental.pallas import tpu_sc as plsc

N = 10000
E = 320000
D = 128

NC = 2
NS = 16
NW = NC * NS
EPW = E // NW
C = 128
CHUNKS = EPW // C
CTAIL = EPW - CHUNKS * C
ROWS_PT = 640
RC = 80
ZR = 40

_sc_mesh = plsc.VectorSubcoreMesh(
    core_axis_name="c", subcore_axis_name="s", num_cores=NC, num_subcores=NS)


@functools.partial(
    pl.kernel,
    out_type=jax.ShapeDtypeStruct((NC, N, D), jnp.float32),
    mesh=_sc_mesh,
    scratch_types=[
        pltpu.VMEM_SHARED((N, D), jnp.float32),
        pltpu.VMEM((EPW,), jnp.int32),
        pltpu.VMEM((C,), jnp.int32),
        pltpu.VMEM((C,), jnp.int32),
        pltpu.VMEM((CTAIL,), jnp.int32),
        pltpu.VMEM((C, D), jnp.float32),
        pltpu.VMEM((C, D), jnp.float32),
        pltpu.VMEM((ZR, D), jnp.float32),
        pltpu.SemaphoreType.DMA,
        pltpu.SemaphoreType.DMA,
        pltpu.SemaphoreType.DMA,
        pltpu.SemaphoreType.DMA,
        pltpu.SemaphoreType.DMA,
        pltpu.SemaphoreType.DMA,
    ],
)
def _sc_segment_sum(hw, srcix, dstix, out, acc, src_v, dst_a, dst_b, dst_t,
                    rows_a, rows_b, zbuf, gsem_a, gsem_b, isem_a, isem_b,
                    ssem_a, ssem_b):
    c = lax.axis_index("c")
    s = lax.axis_index("s")
    wid = c * NS + s
    ebase = pl.multiple_of(wid * EPW, 8)

    pltpu.sync_copy(srcix.at[pl.ds(ebase, EPW)], src_v)

    rbase = s * ROWS_PT
    nrows = jnp.minimum(ROWS_PT, N - rbase)

    def prefetch(j, dstb, rows, gsem, isem):
        off = pl.multiple_of(ebase + j * C, 8)
        pltpu.async_copy(dstix.at[pl.ds(off, C)], dstb, isem)
        joff = pl.multiple_of(j * C, 8)
        pltpu.async_copy(hw.at[src_v.at[pl.ds(joff, C)]], rows, gsem)

    def consume(dstb, rows, gsem, isem, ssem):
        pltpu.make_async_copy(dstix.at[pl.ds(0, C)], dstb, isem).wait()
        pltpu.make_async_copy(hw.at[src_v.at[pl.ds(0, C)]], rows, gsem).wait()
        pltpu.async_copy(rows, acc.at[dstb], ssem, add=True)

    def drain_scatter(rows, ssem):
        pltpu.make_async_copy(hw.at[src_v.at[pl.ds(0, C)]], rows, ssem).wait()

    prefetch(0, dst_a, rows_a, gsem_a, isem_a)
    prefetch(1, dst_b, rows_b, gsem_b, isem_b)

    z = jnp.zeros((16,), jnp.float32)

    def zrow(r, carry):
        for j in range(D // 16):
            zbuf[r, pl.ds(j * 16, 16)] = z
        return carry

    lax.fori_loop(0, ZR, zrow, 0)

    def zcopy(i, carry):
        off = pl.multiple_of(rbase + i * ZR, 8)
        pltpu.sync_copy(zbuf, acc.at[pl.ds(off, ZR)])
        return carry

    lax.fori_loop(0, nrows // ZR, zcopy, 0)
    plsc.subcore_barrier()

    def pair(p, carry):
        j = p * 2
        consume(dst_a, rows_a, gsem_a, isem_a, ssem_a)

        @pl.when(j + 2 < CHUNKS)
        def _():
            drain_scatter(rows_a, ssem_a)
            prefetch(j + 2, dst_a, rows_a, gsem_a, isem_a)

        consume(dst_b, rows_b, gsem_b, isem_b, ssem_b)

        @pl.when(j + 3 < CHUNKS)
        def _():
            drain_scatter(rows_b, ssem_b)
            prefetch(j + 3, dst_b, rows_b, gsem_b, isem_b)

        return carry

    lax.fori_loop(0, CHUNKS // 2, pair, 0)
    drain_scatter(rows_a, ssem_a)
    drain_scatter(rows_b, ssem_b)

    toff = pl.multiple_of(ebase + CHUNKS * C, 8)
    pltpu.sync_copy(dstix.at[pl.ds(toff, CTAIL)], dst_t)
    tj = pl.multiple_of(CHUNKS * C, 8)
    pltpu.sync_copy(hw.at[src_v.at[pl.ds(tj, CTAIL)]],
                    rows_a.at[pl.ds(0, CTAIL)])
    pltpu.sync_copy(rows_a.at[pl.ds(0, CTAIL)], acc.at[dst_t], add=True)
    plsc.subcore_barrier()

    def ocopy(i, carry):
        off = pl.multiple_of(rbase + i * RC, 8)
        pltpu.sync_copy(acc.at[pl.ds(off, RC)], out.at[c, pl.ds(off, RC)])
        return carry

    lax.fori_loop(0, nrows // RC, ocopy, 0)



BLK = 5000


def _mm_body(h_ref, W_ref, hw_ref):
    hw_ref[...] = jnp.dot(h_ref[...], W_ref[...],
                          preferred_element_type=jnp.float32)


def _res_body(h_ref, Wr_ref, br_ref, res_ref):
    r = jnp.dot(h_ref[...], Wr_ref[...], preferred_element_type=jnp.float32)
    res_ref[...] = jnp.maximum(r + br_ref[...], 0.0)


def _comb_body(agg_ref, b_ref, res_ref, h_ref):
    aggsum = agg_ref[0] + agg_ref[1]
    h_ref[...] = jnp.maximum(aggsum + b_ref[...], 0.0) + res_ref[...]


def _combmm_body(agg_ref, b_ref, res_ref, W_ref, h_ref, hw_ref):
    aggsum = agg_ref[0] + agg_ref[1]
    h = jnp.maximum(aggsum + b_ref[...], 0.0) + res_ref[...]
    h_ref[...] = h
    hw_ref[...] = jnp.dot(h, W_ref[...], preferred_element_type=jnp.float32)


def _mat_spec():
    return pl.BlockSpec((D, D), lambda i: (0, 0))


def _vec_spec():
    return pl.BlockSpec((1, D), lambda i: (0, 0))


def _row_spec():
    return pl.BlockSpec((BLK, D), lambda i: (i, 0))


def _agg_spec():
    return pl.BlockSpec((NC, BLK, D), lambda i: (0, i, 0))


def _f32(n=1):
    s = jax.ShapeDtypeStruct((N, D), jnp.float32)
    return [s] * n if n > 1 else s


def _mm(h, W):
    return pl.pallas_call(
        _mm_body,
        grid=(N // BLK,),
        in_specs=[_row_spec(), _mat_spec()],
        out_specs=_row_spec(),
        out_shape=_f32(),
    )(h, W)


def _res(h, Wr, br):
    return pl.pallas_call(
        _res_body,
        grid=(N // BLK,),
        in_specs=[_row_spec(), _mat_spec(), _vec_spec()],
        out_specs=_row_spec(),
        out_shape=_f32(),
    )(h, Wr, br)


def _combmm(agg, b, res, W):
    return pl.pallas_call(
        _combmm_body,
        grid=(N // BLK,),
        in_specs=[_agg_spec(), _vec_spec(), _row_spec(), _mat_spec()],
        out_specs=[_row_spec(), _row_spec()],
        out_shape=_f32(2),
    )(agg, b, res, W)


def _comb(agg, b, res):
    return pl.pallas_call(
        _comb_body,
        grid=(N // BLK,),
        in_specs=[_agg_spec(), _vec_spec(), _row_spec()],
        out_specs=_row_spec(),
        out_shape=_f32(),
    )(agg, b, res)


@jax.jit
def kernel(feats, edge_index, W1, b1, Wr1, br1, W2, b2, Wr2, br2):
    src = edge_index[0]
    dst = edge_index[1]
    b1r = b1.reshape(1, D)
    br1r = br1.reshape(1, D)
    b2r = b2.reshape(1, D)
    br2r = br2.reshape(1, D)

    hw1 = _mm(feats, W1)
    agg1 = _sc_segment_sum(hw1, src, dst)
    res1 = _res(feats, Wr1, br1r)
    h1, hw2 = _combmm(agg1, b1r, res1, W2)
    agg2 = _sc_segment_sum(hw2, src, dst)
    res2 = _res(h1, Wr2, br2r)
    return _comb(agg2, b2r, res2)

# --- scband reference (transcript-rebuilt; emitter-appended) ---
"""Pipeline reference for scband-tyc-2-dgcn-block-61005715472861 (READ-ONLY COPY).

The authoritative reference and input builder live on the scoring server;
editing this copy changes nothing except your own understanding.
"""

import jax, jax.numpy as jnp
import numpy as np

N = 10000
E = 320000
D = 128


def setup_inputs(seed: int = 0) -> dict:
    key = jax.random.key(seed)
    ks = jax.random.split(key, 12)
    feats = jax.random.normal(ks[0], (N, D), dtype=jnp.float32)
    edge_index = jax.random.randint(ks[1], (2, E), 0, N, dtype=jnp.int32)
    s = 1.0 / np.sqrt(D)
    # Layer 1: GraphConv weight/bias + residual Linear weight/bias
    W1 = jax.random.uniform(ks[2], (D, D), jnp.float32, -s, s)
    b1 = jnp.zeros((D,), jnp.float32)
    Wr1 = jax.random.uniform(ks[3], (D, D), jnp.float32, -s, s)
    br1 = jax.random.uniform(ks[4], (D,), jnp.float32, -s, s)
    # Layer 2
    W2 = jax.random.uniform(ks[5], (D, D), jnp.float32, -s, s)
    b2 = jnp.zeros((D,), jnp.float32)
    Wr2 = jax.random.uniform(ks[6], (D, D), jnp.float32, -s, s)
    br2 = jax.random.uniform(ks[7], (D,), jnp.float32, -s, s)
    return {"feats": feats, "edge_index": edge_index,
            "W1": W1, "b1": b1, "Wr1": Wr1, "br1": br1,
            "W2": W2, "b2": b2, "Wr2": Wr2, "br2": br2}


def reference(feats, edge_index, W1, b1, Wr1, br1, W2, b2, Wr2, br2):
    # dgllife GCN with gnn_norm='none' (default): per layer
    #   new = relu(sum_{src->dst} (h_src @ W) + b)   [DGL GraphConv, norm='none', activation=relu]
    #   res = relu(h @ Wr + br)                       [residual connection]
    #   h   = new + res                               (dropout=0, batchnorm=False)
    src = edge_index[0]
    dst = edge_index[1]

    def layer(h, W, b, Wr, br):
        hw = h @ W  # weight before aggregation (in_feats == out_feats)
        m = jnp.take(hw, src, axis=0)  # gather messages from source nodes
        agg = jax.ops.segment_sum(m, dst, num_segments=N)  # scatter-add to dst
        new = jax.nn.relu(agg + b)
        res = jax.nn.relu(h @ Wr + br)
        return new + res

    h = layer(feats, W1, b1, Wr1, br1)
    h = layer(h, W2, b2, Wr2, br2)
    return h

if __name__ == "__main__":
    import jax
    _d = setup_inputs()
    print(jax.jit(kernel)(*tuple(_d.values())))

</pallas_src>

<mosaic_0001>
#map = affine_map<(d0, d1) -> (0, 0)>
#map1 = affine_map<(d0, d1) -> (0)>
#map2 = affine_map<(d0, d1) -> (0, 0, 0)>
module attributes {stable_mosaic.version = 14 : i64} {
  func.func @_sc_segment_sum(%arg0: i32, %arg1: i32, %arg2: memref<10000x128xf32, #tpu.memory_space<hbm>>, %arg3: memref<320000xi32, #tpu.memory_space<hbm>>, %arg4: memref<320000xi32, #tpu.memory_space<hbm>>, %arg5: memref<2x10000x128xf32, #tpu.memory_space<hbm>>, %arg6: memref<10000x128xf32, #tpu.memory_space<vmem_shared>>, %arg7: memref<10000xi32, #tpu.memory_space<vmem>>, %arg8: memref<128xi32, #tpu.memory_space<vmem>>, %arg9: memref<128xi32, #tpu.memory_space<vmem>>, %arg10: memref<16xi32, #tpu.memory_space<vmem>>, %arg11: memref<128x128xf32, #tpu.memory_space<vmem>>, %arg12: memref<128x128xf32, #tpu.memory_space<vmem>>, %arg13: memref<40x128xf32, #tpu.memory_space<vmem>>, %arg14: memref<!tpu.dma_semaphore, #tpu.memory_space<semaphore_mem>>, %arg15: memref<!tpu.dma_semaphore, #tpu.memory_space<semaphore_mem>>, %arg16: memref<!tpu.dma_semaphore, #tpu.memory_space<semaphore_mem>>, %arg17: memref<!tpu.dma_semaphore, #tpu.memory_space<semaphore_mem>>, %arg18: memref<!tpu.dma_semaphore, #tpu.memory_space<semaphore_mem>>, %arg19: memref<!tpu.dma_semaphore, #tpu.memory_space<semaphore_mem>>) attributes {dimension_semantics = [#tpu.dimension_semantics<core_parallel>, #tpu.dimension_semantics<subcore_parallel>], iteration_bounds = array<i64: 2, 16>, scalar_prefetch = 0 : i64, scratch_operands = 14 : i64, tpu.core_type = #tpu.core_type<sc_vector_subcore>, window_params = [{transform_indices = #map}, {transform_indices = #map1}, {transform_indices = #map1}, {transform_indices = #map2}]} {
    %mul3A = arith.constant 16 : i32
    %mul3A_0 = arith.muli %arg0, %mul3A : i32
    %add3A = arith.addi %mul3A_0, %arg1 : i32
    %mul3A_1 = arith.constant 10000 : i32
    %mul3A_2 = arith.muli %add3A, %mul3A_1 : i32
    %multiple_of3A = tpu.assume_multiple %mul3A_2, 8 : i32
    "tpu.region"() ({
      %run_scoped3A = tpu.sem_alloc : memref<!tpu.dma_semaphore, #tpu.memory_space<semaphore_mem>>
      %dma_start3A_115 = tpu.memref_slice %arg3[%multiple_of3A] : memref<320000xi32, #tpu.memory_space<hbm>> -> memref<10000xi32, #tpu.memory_space<hbm>>
      %dma_start3A_116 = tpu.memref_slice %arg3[%multiple_of3A] : memref<320000xi32, #tpu.memory_space<hbm>> -> memref<10000xi32, #tpu.memory_space<hbm>>
      tpu.enqueue_dma source(%dma_start3A_116 : memref<10000xi32, #tpu.memory_space<hbm>>) target(%arg7 : memref<10000xi32, #tpu.memory_space<vmem>>) target_semaphore(%run_scoped3A : memref<!tpu.dma_semaphore, #tpu.memory_space<semaphore_mem>>)
      %dma_wait3A_117 = tpu.memref_slice %arg3[%multiple_of3A] : memref<320000xi32, #tpu.memory_space<hbm>> -> memref<10000xi32, #tpu.memory_space<hbm>>
      %dma_wait3A_118 = tpu.memref_slice %arg3[%multiple_of3A] : memref<320000xi32, #tpu.memory_space<hbm>> -> memref<10000xi32, #tpu.memory_space<hbm>>
      tpu.wait_dma2 semaphore(%run_scoped3A : memref<!tpu.dma_semaphore, #tpu.memory_space<semaphore_mem>>) src(%dma_wait3A_118 : memref<10000xi32, #tpu.memory_space<hbm>>) dst(%arg7 : memref<10000xi32, #tpu.memory_space<vmem>>)
      tpu.yield
    }) : () -> ()
    %mul3A_3 = arith.constant 640 : i32
    %mul3A_4 = arith.muli %arg1, %mul3A_3 : i32
    %sub3A = arith.constant 10000 : i32
    %sub3A_5 = arith.subi %sub3A, %mul3A_4 : i32
    %min3A = arith.constant 640 : i32
    %min3A_6 = arith.minsi %min3A, %sub3A_5 : i32
    %add3A_7 = arith.constant 0 : i32
    %add3A_8 = arith.addi %multiple_of3A, %add3A_7 : i32
    %multiple_of3A_9 = tpu.assume_multiple %add3A_8, 8 : i32
    %dma_start3A = tpu.memref_slice %arg4[%multiple_of3A_9] : memref<320000xi32, #tpu.memory_space<hbm>> -> memref<128xi32, #tpu.memory_space<hbm>>
    %dma_start3A_10 = tpu.memref_slice %arg4[%multiple_of3A_9] : memref<320000xi32, #tpu.memory_space<hbm>> -> memref<128xi32, #tpu.memory_space<hbm>>
    tpu.enqueue_dma source(%dma_start3A_10 : memref<128xi32, #tpu.memory_space<hbm>>) target(%arg8 : memref<128xi32, #tpu.memory_space<vmem>>) target_semaphore(%arg16 : memref<!tpu.dma_semaphore, #tpu.memory_space<semaphore_mem>>)
    %multiple_of3A_11 = arith.constant 0 : i32
    %multiple_of3A_12 = tpu.assume_multiple %multiple_of3A_11, 8 : i32
    %dma_start3A_13 = tpu.memref_slice %arg7[%multiple_of3A_12] : memref<10000xi32, #tpu.memory_space<vmem>> -> memref<128xi32, #tpu.memory_space<vmem>>
    %dma_start3A_14 = arith.constant 0 : i32
    %dma_start3A_15 = arith.constant 0 : i32
    %dma_start3A_16 = tpu.memref_slice %arg2[%dma_start3A_14, %dma_start3A_15] : memref<10000x128xf32, #tpu.memory_space<hbm>> -> memref<10000x128xf32, #tpu.memory_space<hbm>>
    tpu.enqueue_indirect_dma source(%dma_start3A_16 : memref<10000x128xf32, #tpu.memory_space<hbm>>) target(%arg11 : memref<128x128xf32, #tpu.memory_space<vmem>>) offsets(%dma_start3A_13 : memref<128xi32, #tpu.memory_space<vmem>>) semaphore(%arg14 : memref<!tpu.dma_semaphore, #tpu.memory_space<semaphore_mem>>)
    %add3A_17 = arith.constant 128 : i32
    %add3A_18 = arith.addi %multiple_of3A, %add3A_17 : i32
    %multiple_of3A_19 = tpu.assume_multiple %add3A_18, 8 : i32
    %dma_start3A_20 = tpu.memref_slice %arg4[%multiple_of3A_19] : memref<320000xi32, #tpu.memory_space<hbm>> -> memref<128xi32, #tpu.memory_space<hbm>>
    %dma_start3A_21 = tpu.memref_slice %arg4[%multiple_of3A_19] : memref<320000xi32, #tpu.memory_space<hbm>> -> memref<128xi32, #tpu.memory_space<hbm>>
    tpu.enqueue_dma source(%dma_start3A_21 : memref<128xi32, #tpu.memory_space<hbm>>) target(%arg9 : memref<128xi32, #tpu.memory_space<vmem>>) target_semaphore(%arg17 : memref<!tpu.dma_semaphore, #tpu.memory_space<semaphore_mem>>)
    %multiple_of3A_22 = arith.constant 128 : i32
    %multiple_of3A_23 = tpu.assume_multiple %multiple_of3A_22, 8 : i32
    %dma_start3A_24 = tpu.memref_slice %arg7[%multiple_of3A_23] : memref<10000xi32, #tpu.memory_space<vmem>> -> memref<128xi32, #tpu.memory_space<vmem>>
    %dma_start3A_25 = arith.constant 0 : i32
    %dma_start3A_26 = arith.constant 0 : i32
    %dma_start3A_27 = tpu.memref_slice %arg2[%dma_start3A_25, %dma_start3A_26] : memref<10000x128xf32, #tpu.memory_space<hbm>> -> memref<10000x128xf32, #tpu.memory_space<hbm>>
    tpu.enqueue_indirect_dma source(%dma_start3A_27 : memref<10000x128xf32, #tpu.memory_space<hbm>>) target(%arg12 : memref<128x128xf32, #tpu.memory_space<vmem>>) offsets(%dma_start3A_24 : memref<128xi32, #tpu.memory_space<vmem>>) semaphore(%arg15 : memref<!tpu.dma_semaphore, #tpu.memory_space<semaphore_mem>>)
    %broadcast_in_dim3A = arith.constant 0.000000e+00 : f32
    %broadcast_in_dim3A_28 = vector.broadcast %broadcast_in_dim3A : f32 to vector<16xf32>
    %scan3A = arith.constant 0 : i32
    %scan3A_29 = arith.constant 0 : i32
    %scan3A_30 = arith.constant 40 : i32
    %scan3A_31 = arith.addi %scan3A_29, %scan3A_30 : i32
    %scan3A_32 = arith.constant 1 : i32
    scf.for %scan3A_115 = %scan3A_29 to %scan3A_31 step %scan3A_32  : i32 {
      %swap3A = arith.index_cast %scan3A_115 : i32 to index
      %swap3A_116 = arith.constant 0 : index
      %swap3A_117 = tpu.vector_load %arg13[%swap3A, %swap3A_116] {strides = array<i32>} : memref<40x128xf32, #tpu.memory_space<vmem>>, vector<1x16xf32>,
      %swap3A_118 = vector.shape_cast %swap3A_117 : vector<1x16xf32> to vector<16xf32>
      %swap3A_119 = vector.shape_cast %broadcast_in_dim3A_28 : vector<16xf32> to vector<1x16xf32>
      tpu.vector_store %arg13[%swap3A, %swap3A_116], %swap3A_119 {strides = array<i32>} : memref<40x128xf32, #tpu.memory_space<vmem>>, vector<1x16xf32>,
      %swap3A_120 = arith.index_cast %scan3A_115 : i32 to index
      %swap3A_121 = arith.constant 16 : index
      %swap3A_122 = tpu.vector_load %arg13[%swap3A_120, %swap3A_121] {strides = array<i32>} : memref<40x128xf32, #tpu.memory_space<vmem>>, vector<1x16xf32>,
      %swap3A_123 = vector.shape_cast %swap3A_122 : vector<1x16xf32> to vector<16xf32>
      %swap3A_124 = vector.shape_cast %broadcast_in_dim3A_28 : vector<16xf32> to vector<1x16xf32>
      tpu.vector_store %arg13[%swap3A_120, %swap3A_121], %swap3A_124 {strides = array<i32>} : memref<40x128xf32, #tpu.memory_space<vmem>>, vector<1x16xf32>,
      %swap3A_125 = arith.index_cast %scan3A_115 : i32 to index
      %swap3A_126 = arith.constant 32 : index
      %swap3A_127 = tpu.vector_load %arg13[%swap3A_125, %swap3A_126] {strides = array<i32>} : memref<40x128xf32, #tpu.memory_space<vmem>>, vector<1x16xf32>,
      %swap3A_128 = vector.shape_cast %swap3A_127 : vector<1x16xf32> to vector<16xf32>
      %swap3A_129 = vector.shape_cast %broadcast_in_dim3A_28 : vector<16xf32> to vector<1x16xf32>
      tpu.vector_store %arg13[%swap3A_125, %swap3A_126], %swap3A_129 {strides = array<i32>} : memref<40x128xf32, #tpu.memory_space<vmem>>, vector<1x16xf32>,
      %swap3A_130 = arith.index_cast %scan3A_115 : i32 to index
      %swap3A_131 = arith.constant 48 : index
      %swap3A_132 = tpu.vector_load %arg13[%swap3A_130, %swap3A_131] {strides = array<i32>} : memref<40x128xf32, #tpu.memory_space<vmem>>, vector<1x16xf32>,
      %swap3A_133 = vector.shape_cast %swap3A_132 : vector<1x16xf32> to vector<16xf32>
      %swap3A_134 = vector.shape_cast %broadcast_in_dim3A_28 : vector<16xf32> to vector<1x16xf32>
      tpu.vector_store %arg13[%swap3A_130, %swap3A_131], %swap3A_134 {strides = array<i32>} : memref<40x128xf32, #tpu.memory_space<vmem>>, vector<1x16xf32>,
      %swap3A_135 = arith.index_cast %scan3A_115 : i32 to index
      %swap3A_136 = arith.constant 64 : index
      %swap3A_137 = tpu.vector_load %arg13[%swap3A_135, %swap3A_136] {strides = array<i32>} : memref<40x128xf32, #tpu.memory_space<vmem>>, vector<1x16xf32>,
      %swap3A_138 = vector.shape_cast %swap3A_137 : vector<1x16xf32> to vector<16xf32>
      %swap3A_139 = vector.shape_cast %broadcast_in_dim3A_28 : vector<16xf32> to vector<1x16xf32>
      tpu.vector_store %arg13[%swap3A_135, %swap3A_136], %swap3A_139 {strides = array<i32>} : memref<40x128xf32, #tpu.memory_space<vmem>>, vector<1x16xf32>,
      %swap3A_140 = arith.index_cast %scan3A_115 : i32 to index
      %swap3A_141 = arith.constant 80 : index
      %swap3A_142 = tpu.vector_load %arg13[%swap3A_140, %swap3A_141] {strides = array<i32>} : memref<40x128xf32, #tpu.memory_space<vmem>>, vector<1x16xf32>,
      %swap3A_143 = vector.shape_cast %swap3A_142 : vector<1x16xf32> to vector<16xf32>
      %swap3A_144 = vector.shape_cast %broadcast_in_dim3A_28 : vector<16xf32> to vector<1x16xf32>
      tpu.vector_store %arg13[%swap3A_140, %swap3A_141], %swap3A_144 {strides = array<i32>} : memref<40x128xf32, #tpu.memory_space<vmem>>, vector<1x16xf32>,
      %swap3A_145 = arith.index_cast %scan3A_115 : i32 to index
      %swap3A_146 = arith.constant 96 : index
      %swap3A_147 = tpu.vector_load %arg13[%swap3A_145, %swap3A_146] {strides = array<i32>} : memref<40x128xf32, #tpu.memory_space<vmem>>, vector<1x16xf32>,
      %swap3A_148 = vector.shape_cast %swap3A_147 : vector<1x16xf32> to vector<16xf32>
      %swap3A_149 = vector.shape_cast %broadcast_in_dim3A_28 : vector<16xf32> to vector<1x16xf32>
      tpu.vector_store %arg13[%swap3A_145, %swap3A_146], %swap3A_149 {strides = array<i32>} : memref<40x128xf32, #tpu.memory_space<vmem>>, vector<1x16xf32>,
      %swap3A_150 = arith.index_cast %scan3A_115 : i32 to index
      %swap3A_151 = arith.constant 112 : index
      %swap3A_152 = tpu.vector_load %arg13[%swap3A_150, %swap3A_151] {strides = array<i32>} : memref<40x128xf32, #tpu.memory_space<vmem>>, vector<1x16xf32>,
      %swap3A_153 = vector.shape_cast %swap3A_152 : vector<1x16xf32> to vector<16xf32>
      %swap3A_154 = vector.shape_cast %broadcast_in_dim3A_28 : vector<16xf32> to vector<1x16xf32>
      tpu.vector_store %arg13[%swap3A_150, %swap3A_151], %swap3A_154 {strides = array<i32>} : memref<40x128xf32, #tpu.memory_space<vmem>>, vector<1x16xf32>,
    }
    %scan3A_33 = arith.constant 40 : i32
    %jit3A = arith.constant 40 : i32
    %div3A = arith.divsi %min3A_6, %jit3A : i32
    %sign3A = arith.constant 0 : i32
    %sign3A_34 = arith.cmpi sgt, %min3A_6, %sign3A : i32
    %sign3A_35 = arith.extui %sign3A_34 : i1 to i32
    %sign3A_36 = arith.constant 0 : i32
    %sign3A_37 = arith.cmpi slt, %min3A_6, %sign3A_36 : i32
    %sign3A_38 = arith.extui %sign3A_37 : i1 to i32
    %sign3A_39 = arith.subi %sign3A_35, %sign3A_38 : i32
    %sign3A_40 = arith.constant 0 : i32
    %sign3A_41 = arith.cmpi sgt, %jit3A, %sign3A_40 : i32
    %sign3A_42 = arith.extui %sign3A_41 : i1 to i32
    %sign3A_43 = arith.constant 0 : i32
    %sign3A_44 = arith.cmpi slt, %jit3A, %sign3A_43 : i32
    %sign3A_45 = arith.extui %sign3A_44 : i1 to i32
    %sign3A_46 = arith.subi %sign3A_42, %sign3A_45 : i32
    %ne3A = arith.cmpi ne, %sign3A_39, %sign3A_46 : i32
    %rem3A = arith.remsi %min3A_6, %jit3A : i32
    %ne3A_47 = arith.constant 0 : i32
    %ne3A_48 = arith.cmpi ne, %rem3A, %ne3A_47 : i32
    %and3A = arith.andi %ne3A, %ne3A_48 : i1
    %sub3A_49 = arith.constant 1 : i32
    %sub3A_50 = arith.subi %div3A, %sub3A_49 : i32
    %select_n3A = arith.select %and3A, %sub3A_50, %div3A : i32
    %while3A = arith.constant 0 : i32
    %while3A_51 = arith.constant 0 : i32
    %while3A_52 = arith.subi %select_n3A, %while3A_51 : i32
    %while3A_53 = arith.addi %while3A_51, %while3A_52 : i32
    %while3A_54 = arith.constant 1 : i32
    %while3A_55 = arith.divsi %while3A_52, %while3A_54 : i32
    %while3A_56 = arith.muli %while3A_55, %while3A_54 : i32
    %while3A_57 = arith.addi %while3A_51, %while3A_56 : i32
    %while3A_58 = arith.constant 1 : i32
    scf.for %while3A_115 = %while3A_51 to %while3A_57 step %while3A_58  : i32 {
      %mul3A_116 = arith.constant 40 : i32
      %mul3A_117 = arith.muli %while3A_115, %mul3A_116 : i32
      %add3A_118 = arith.addi %mul3A_4, %mul3A_117 : i32
      %multiple_of3A_119 = tpu.assume_multiple %add3A_118, 8 : i32
      "tpu.region"() ({
        %run_scoped3A = tpu.sem_alloc : memref<!tpu.dma_semaphore, #tpu.memory_space<semaphore_mem>>
        %dma_start3A_120 = arith.constant 0 : i32
        %dma_start3A_121 = tpu.memref_slice %arg6[%multiple_of3A_119, %dma_start3A_120] : memref<10000x128xf32, #tpu.memory_space<vmem_shared>> -> memref<40x128xf32, #tpu.memory_space<vmem_shared>>
        %dma_start3A_122 = arith.constant 0 : i32
        %dma_start3A_123 = tpu.memref_slice %arg6[%multiple_of3A_119, %dma_start3A_122] : memref<10000x128xf32, #tpu.memory_space<vmem_shared>> -> memref<40x128xf32, #tpu.memory_space<vmem_shared>>
        tpu.enqueue_dma source(%arg13 : memref<40x128xf32, #tpu.memory_space<vmem>>) target(%dma_start3A_123 : memref<40x128xf32, #tpu.memory_space<vmem_shared>>) target_semaphore(%run_scoped3A : memref<!tpu.dma_semaphore, #tpu.memory_space<semaphore_mem>>)
        %dma_wait3A_124 = arith.constant 0 : i32
        %dma_wait3A_125 = tpu.memref_slice %arg6[%multiple_of3A_119, %dma_wait3A_124] : memref<10000x128xf32, #tpu.memory_space<vmem_shared>> -> memref<40x128xf32, #tpu.memory_space<vmem_shared>>
        %dma_wait3A_126 = arith.constant 0 : i32
        %dma_wait3A_127 = tpu.memref_slice %arg6[%multiple_of3A_119, %dma_wait3A_126] : memref<10000x128xf32, #tpu.memory_space<vmem_shared>> -> memref<40x128xf32, #tpu.memory_space<vmem_shared>>
        tpu.wait_dma2 semaphore(%run_scoped3A : memref<!tpu.dma_semaphore, #tpu.memory_space<semaphore_mem>>) src(%arg13 : memref<40x128xf32, #tpu.memory_space<vmem>>) dst(%dma_wait3A_127 : memref<40x128xf32, #tpu.memory_space<vmem_shared>>)
        tpu.yield
      }) : () -> ()
    }
    %while3A_59 = arith.constant 1 : i32
    scf.for %while3A_115 = %while3A_57 to %while3A_53 step %while3A_59  : i32 {
      %mul3A_116 = arith.constant 40 : i32
      %mul3A_117 = arith.muli %while3A_115, %mul3A_116 : i32
      %add3A_118 = arith.addi %mul3A_4, %mul3A_117 : i32
      %multiple_of3A_119 = tpu.assume_multiple %add3A_118, 8 : i32
      "tpu.region"() ({
        %run_scoped3A = tpu.sem_alloc : memref<!tpu.dma_semaphore, #tpu.memory_space<semaphore_mem>>
        %dma_start3A_120 = arith.constant 0 : i32
        %dma_start3A_121 = tpu.memref_slice %arg6[%multiple_of3A_119, %dma_start3A_120] : memref<10000x128xf32, #tpu.memory_space<vmem_shared>> -> memref<40x128xf32, #tpu.memory_space<vmem_shared>>
        %dma_start3A_122 = arith.constant 0 : i32
        %dma_start3A_123 = tpu.memref_slice %arg6[%multiple_of3A_119, %dma_start3A_122] : memref<10000x128xf32, #tpu.memory_space<vmem_shared>> -> memref<40x128xf32, #tpu.memory_space<vmem_shared>>
        tpu.enqueue_dma source(%arg13 : memref<40x128xf32, #tpu.memory_space<vmem>>) target(%dma_start3A_123 : memref<40x128xf32, #tpu.memory_space<vmem_shared>>) target_semaphore(%run_scoped3A : memref<!tpu.dma_semaphore, #tpu.memory_space<semaphore_mem>>)
        %dma_wait3A_124 = arith.constant 0 : i32
        %dma_wait3A_125 = tpu.memref_slice %arg6[%multiple_of3A_119, %dma_wait3A_124] : memref<10000x128xf32, #tpu.memory_space<vmem_shared>> -> memref<40x128xf32, #tpu.memory_space<vmem_shared>>
        %dma_wait3A_126 = arith.constant 0 : i32
        %dma_wait3A_127 = tpu.memref_slice %arg6[%multiple_of3A_119, %dma_wait3A_126] : memref<10000x128xf32, #tpu.memory_space<vmem_shared>> -> memref<40x128xf32, #tpu.memory_space<vmem_shared>>
        tpu.wait_dma2 semaphore(%run_scoped3A : memref<!tpu.dma_semaphore, #tpu.memory_space<semaphore_mem>>) src(%arg13 : memref<40x128xf32, #tpu.memory_space<vmem>>) dst(%dma_wait3A_127 : memref<40x128xf32, #tpu.memory_space<vmem_shared>>)
        tpu.yield
      }) : () -> ()
    }
    %barrier3A = arith.constant 0 : index
    tpu.barrier barrier_id(%barrier3A)
    %scan3A_60 = arith.constant 0 : i32
    %scan3A_61 = arith.constant 0 : i32
    %scan3A_62 = arith.constant 39 : i32
    %scan3A_63 = arith.addi %scan3A_61, %scan3A_62 : i32
    %scan3A_64 = arith.constant 1 : i32
    scf.for %scan3A_115 = %scan3A_61 to %scan3A_63 step %scan3A_64  : i32 {
      %mul3A_116 = arith.constant 2 : i32
      %mul3A_117 = arith.muli %scan3A_115, %mul3A_116 : i32
      %dma_wait3A_118 = arith.constant 0 : i32
      %dma_wait3A_119 = tpu.memref_slice %arg4[%dma_wait3A_118] : memref<320000xi32, #tpu.memory_space<hbm>> -> memref<128xi32, #tpu.memory_space<hbm>>
      %dma_wait3A_120 = arith.constant 0 : i32
      %dma_wait3A_121 = tpu.memref_slice %arg4[%dma_wait3A_120] : memref<320000xi32, #tpu.memory_space<hbm>> -> memref<128xi32, #tpu.memory_space<hbm>>
      tpu.wait_dma2 semaphore(%arg16 : memref<!tpu.dma_semaphore, #tpu.memory_space<semaphore_mem>>) src(%dma_wait3A_121 : memref<128xi32, #tpu.memory_space<hbm>>) dst(%arg8 : memref<128xi32, #tpu.memory_space<vmem>>)
      %dma_wait3A_122 = arith.constant 0 : i32
      %dma_wait3A_123 = tpu.memref_slice %arg7[%dma_wait3A_122] : memref<10000xi32, #tpu.memory_space<vmem>> -> memref<128xi32, #tpu.memory_space<vmem>>
      %dma_wait3A_124 = arith.constant 0 : i32
      %dma_wait3A_125 = arith.constant 0 : i32
      %dma_wait3A_126 = tpu.memref_slice %arg2[%dma_wait3A_124, %dma_wait3A_125] : memref<10000x128xf32, #tpu.memory_space<hbm>> -> memref<10000x128xf32, #tpu.memory_space<hbm>>
      tpu.wait_indirect_dma semaphore(%arg14 : memref<!tpu.dma_semaphore, #tpu.memory_space<semaphore_mem>>) src(%dma_wait3A_126 : memref<10000x128xf32, #tpu.memory_space<hbm>>) dst(%arg11 : memref<128x128xf32, #tpu.memory_space<vmem>>)
      %dma_start3A_127 = arith.constant 0 : i32
      %dma_start3A_128 = arith.constant 0 : i32
      %dma_start3A_129 = tpu.memref_slice %arg6[%dma_start3A_127, %dma_start3A_128] : memref<10000x128xf32, #tpu.memory_space<vmem_shared>> -> memref<10000x128xf32, #tpu.memory_space<vmem_shared>>
      tpu.enqueue_indirect_dma source(%arg11 : memref<128x128xf32, #tpu.memory_space<vmem>>) target(%dma_start3A_129 : memref<10000x128xf32, #tpu.memory_space<vmem_shared>>) offsets(%arg8 : memref<128xi32, #tpu.memory_space<vmem>>) semaphore(%arg18 : memref<!tpu.dma_semaphore, #tpu.memory_space<semaphore_mem>>) {add = true}
      %add3A_130 = arith.constant 2 : i32
      %add3A_131 = arith.addi %mul3A_117, %add3A_130 : i32
      %lt3A = arith.constant 78 : i32
      %lt3A_132 = arith.cmpi slt, %add3A_131, %lt3A : i32
      %convert_element_type3A = arith.extui %lt3A_132 : i1 to i32
      %cond3A = arith.constant 0 : i32
      %cond3A_133 = arith.cmpi ne, %convert_element_type3A, %cond3A : i32
      scf.if %cond3A_133 {
        %dma_wait3A_153 = arith.constant 0 : i32
        %dma_wait3A_154 = tpu.memref_slice %arg7[%dma_wait3A_153] : memref<10000xi32, #tpu.memory_space<vmem>> -> memref<128xi32, #tpu.memory_space<vmem>>
        %dma_wait3A_155 = arith.constant 0 : i32
        %dma_wait3A_156 = arith.constant 0 : i32
        %dma_wait3A_157 = tpu.memref_slice %arg2[%dma_wait3A_155, %dma_wait3A_156] : memref<10000x128xf32, #tpu.memory_space<hbm>> -> memref<10000x128xf32, #tpu.memory_space<hbm>>
        tpu.wait_indirect_dma semaphore(%arg18 : memref<!tpu.dma_semaphore, #tpu.memory_space<semaphore_mem>>) src(%dma_wait3A_157 : memref<10000x128xf32, #tpu.memory_space<hbm>>) dst(%arg11 : memref<128x128xf32, #tpu.memory_space<vmem>>)
        %add3A_158 = arith.constant 2 : i32
        %add3A_159 = arith.addi %mul3A_117, %add3A_158 : i32
        %mul3A_160 = arith.constant 128 : i32
        %mul3A_161 = arith.muli %add3A_159, %mul3A_160 : i32
        %add3A_162 = arith.addi %multiple_of3A, %mul3A_161 : i32
        %multiple_of3A_163 = tpu.assume_multiple %add3A_162, 8 : i32
        %dma_start3A_164 = tpu.memref_slice %arg4[%multiple_of3A_163] : memref<320000xi32, #tpu.memory_space<hbm>> -> memref<128xi32, #tpu.memory_space<hbm>>
        %dma_start3A_165 = tpu.memref_slice %arg4[%multiple_of3A_163] : memref<320000xi32, #tpu.memory_space<hbm>> -> memref<128xi32, #tpu.memory_space<hbm>>
        tpu.enqueue_dma source(%dma_start3A_165 : memref<128xi32, #tpu.memory_space<hbm>>) target(%arg8 : memref<128xi32, #tpu.memory_space<vmem>>) target_semaphore(%arg16 : memref<!tpu.dma_semaphore, #tpu.memory_space<semaphore_mem>>)
        %mul3A_166 = arith.constant 128 : i32
        %mul3A_167 = arith.muli %add3A_159, %mul3A_166 : i32
        %multiple_of3A_168 = tpu.assume_multiple %mul3A_167, 8 : i32
        %dma_start3A_169 = tpu.memref_slice %arg7[%multiple_of3A_168] : memref<10000xi32, #tpu.memory_space<vmem>> -> memref<128xi32, #tpu.memory_space<vmem>>
        %dma_start3A_170 = arith.constant 0 : i32
        %dma_start3A_171 = arith.constant 0 : i32
        %dma_start3A_172 = tpu.memref_slice %arg2[%dma_start3A_170, %dma_start3A_171] : memref<10000x128xf32, #tpu.memory_space<hbm>> -> memref<10000x128xf32, #tpu.memory_space<hbm>>
        tpu.enqueue_indirect_dma source(%dma_start3A_172 : memref<10000x128xf32, #tpu.memory_space<hbm>>) target(%arg11 : memref<128x128xf32, #tpu.memory_space<vmem>>) offsets(%dma_start3A_169 : memref<128xi32, #tpu.memory_space<vmem>>) semaphore(%arg14 : memref<!tpu.dma_semaphore, #tpu.memory_space<semaphore_mem>>)
      } else {
      }
      %dma_wait3A_134 = arith.constant 0 : i32
      %dma_wait3A_135 = tpu.memref_slice %arg4[%dma_wait3A_134] : memref<320000xi32, #tpu.memory_space<hbm>> -> memref<128xi32, #tpu.memory_space<hbm>>
      %dma_wait3A_136 = arith.constant 0 : i32
      %dma_wait3A_137 = tpu.memref_slice %arg4[%dma_wait3A_136] : memref<320000xi32, #tpu.memory_space<hbm>> -> memref<128xi32, #tpu.memory_space<hbm>>
      tpu.wait_dma2 semaphore(%arg17 : memref<!tpu.dma_semaphore, #tpu.memory_space<semaphore_mem>>) src(%dma_wait3A_137 : memref<128xi32, #tpu.memory_space<hbm>>) dst(%arg9 : memref<128xi32, #tpu.memory_space<vmem>>)
      %dma_wait3A_138 = arith.constant 0 : i32
      %dma_wait3A_139 = tpu.memref_slice %arg7[%dma_wait3A_138] : memref<10000xi32, #tpu.memory_space<vmem>> -> memref<128xi32, #tpu.memory_space<vmem>>
      %dma_wait3A_140 = arith.constant 0 : i32
      %dma_wait3A_141 = arith.constant 0 : i32
      %dma_wait3A_142 = tpu.memref_slice %arg2[%dma_wait3A_140, %dma_wait3A_141] : memref<10000x128xf32, #tpu.memory_space<hbm>> -> memref<10000x128xf32, #tpu.memory_space<hbm>>
      tpu.wait_indirect_dma semaphore(%arg15 : memref<!tpu.dma_semaphore, #tpu.memory_space<semaphore_mem>>) src(%dma_wait3A_142 : memref<10000x128xf32, #tpu.memory_space<hbm>>) dst(%arg12 : memref<128x128xf32, #tpu.memory_space<vmem>>)
      %dma_start3A_143 = arith.constant 0 : i32
      %dma_start3A_144 = arith.constant 0 : i32
      %dma_start3A_145 = tpu.memref_slice %arg6[%dma_start3A_143, %dma_start3A_144] : memref<10000x128xf32, #tpu.memory_space<vmem_shared>> -> memref<10000x128xf32, #tpu.memory_space<vmem_shared>>
      tpu.enqueue_indirect_dma source(%arg12 : memref<128x128xf32, #tpu.memory_space<vmem>>) target(%dma_start3A_145 : memref<10000x128xf32, #tpu.memory_space<vmem_shared>>) offsets(%arg9 : memref<128xi32, #tpu.memory_space<vmem>>) semaphore(%arg19 : memref<!tpu.dma_semaphore, #tpu.memory_space<semaphore_mem>>) {add = true}
      %add3A_146 = arith.constant 3 : i32
      %add3A_147 = arith.addi %mul3A_117, %add3A_146 : i32
      %lt3A_148 = arith.constant 78 : i32
      %lt3A_149 = arith.cmpi slt, %add3A_147, %lt3A_148 : i32
      %convert_element_type3A_150 = arith.extui %lt3A_149 : i1 to i32
      %cond3A_151 = arith.constant 0 : i32
      %cond3A_152 = arith.cmpi ne, %convert_element_type3A_150, %cond3A_151 : i32
      scf.if %cond3A_152 {
        %dma_wait3A_153 = arith.constant 0 : i32
        %dma_wait3A_154 = tpu.memref_slice %arg7[%dma_wait3A_153] : memref<10000xi32, #tpu.memory_space<vmem>> -> memref<128xi32, #tpu.memory_space<vmem>>
        %dma_wait3A_155 = arith.constant 0 : i32
        %dma_wait3A_156 = arith.constant 0 : i32
        %dma_wait3A_157 = tpu.memref_slice %arg2[%dma_wait3A_155, %dma_wait3A_156] : memref<10000x128xf32, #tpu.memory_space<hbm>> -> memref<10000x128xf32, #tpu.memory_space<hbm>>
        tpu.wait_indirect_dma semaphore(%arg19 : memref<!tpu.dma_semaphore, #tpu.memory_space<semaphore_mem>>) src(%dma_wait3A_157 : memref<10000x128xf32, #tpu.memory_space<hbm>>) dst(%arg12 : memref<128x128xf32, #tpu.memory_space<vmem>>)
        %add3A_158 = arith.constant 3 : i32
        %add3A_159 = arith.addi %mul3A_117, %add3A_158 : i32
        %mul3A_160 = arith.constant 128 : i32
        %mul3A_161 = arith.muli %add3A_159, %mul3A_160 : i32
        %add3A_162 = arith.addi %multiple_of3A, %mul3A_161 : i32
        %multiple_of3A_163 = tpu.assume_multiple %add3A_162, 8 : i32
        %dma_start3A_164 = tpu.memref_slice %arg4[%multiple_of3A_163] : memref<320000xi32, #tpu.memory_space<hbm>> -> memref<128xi32, #tpu.memory_space<hbm>>
        %dma_start3A_165 = tpu.memref_slice %arg4[%multiple_of3A_163] : memref<320000xi32, #tpu.memory_space<hbm>> -> memref<128xi32, #tpu.memory_space<hbm>>
        tpu.enqueue_dma source(%dma_start3A_165 : memref<128xi32, #tpu.memory_space<hbm>>) target(%arg9 : memref<128xi32, #tpu.memory_space<vmem>>) target_semaphore(%arg17 : memref<!tpu.dma_semaphore, #tpu.memory_space<semaphore_mem>>)
        %mul3A_166 = arith.constant 128 : i32
        %mul3A_167 = arith.muli %add3A_159, %mul3A_166 : i32
        %multiple_of3A_168 = tpu.assume_multiple %mul3A_167, 8 : i32
        %dma_start3A_169 = tpu.memref_slice %arg7[%multiple_of3A_168] : memref<10000xi32, #tpu.memory_space<vmem>> -> memref<128xi32, #tpu.memory_space<vmem>>
        %dma_start3A_170 = arith.constant 0 : i32
        %dma_start3A_171 = arith.constant 0 : i32
        %dma_start3A_172 = tpu.memref_slice %arg2[%dma_start3A_170, %dma_start3A_171] : memref<10000x128xf32, #tpu.memory_space<hbm>> -> memref<10000x128xf32, #tpu.memory_space<hbm>>
        tpu.enqueue_indirect_dma source(%dma_start3A_172 : memref<10000x128xf32, #tpu.memory_space<hbm>>) target(%arg12 : memref<128x128xf32, #tpu.memory_space<vmem>>) offsets(%dma_start3A_169 : memref<128xi32, #tpu.memory_space<vmem>>) semaphore(%arg15 : memref<!tpu.dma_semaphore, #tpu.memory_space<semaphore_mem>>)
      } else {
      }
    }
    %scan3A_65 = arith.constant 39 : i32
    %dma_wait3A = arith.constant 0 : i32
    %dma_wait3A_66 = tpu.memref_slice %arg7[%dma_wait3A] : memref<10000xi32, #tpu.memory_space<vmem>> -> memref<128xi32, #tpu.memory_space<vmem>>
    %dma_wait3A_67 = arith.constant 0 : i32
    %dma_wait3A_68 = arith.constant 0 : i32
    %dma_wait3A_69 = tpu.memref_slice %arg2[%dma_wait3A_67, %dma_wait3A_68] : memref<10000x128xf32, #tpu.memory_space<hbm>> -> memref<10000x128xf32, #tpu.memory_space<hbm>>
    tpu.wait_indirect_dma semaphore(%arg18 : memref<!tpu.dma_semaphore, #tpu.memory_space<semaphore_mem>>) src(%dma_wait3A_69 : memref<10000x128xf32, #tpu.memory_space<hbm>>) dst(%arg11 : memref<128x128xf32, #tpu.memory_space<vmem>>)
    %dma_wait3A_70 = arith.constant 0 : i32
    %dma_wait3A_71 = tpu.memref_slice %arg7[%dma_wait3A_70] : memref<10000xi32, #tpu.memory_space<vmem>> -> memref<128xi32, #tpu.memory_space<vmem>>
    %dma_wait3A_72 = arith.constant 0 : i32
    %dma_wait3A_73 = arith.constant 0 : i32
    %dma_wait3A_74 = tpu.memref_slice %arg2[%dma_wait3A_72, %dma_wait3A_73] : memref<10000x128xf32, #tpu.memory_space<hbm>> -> memref<10000x128xf32, #tpu.memory_space<hbm>>
    tpu.wait_indirect_dma semaphore(%arg19 : memref<!tpu.dma_semaphore, #tpu.memory_space<semaphore_mem>>) src(%dma_wait3A_74 : memref<10000x128xf32, #tpu.memory_space<hbm>>) dst(%arg12 : memref<128x128xf32, #tpu.memory_space<vmem>>)
    %add3A_75 = arith.constant 9984 : i32
    %add3A_76 = arith.addi %multiple_of3A, %add3A_75 : i32
    %multiple_of3A_77 = tpu.assume_multiple %add3A_76, 8 : i32
    "tpu.region"() ({
      %run_scoped3A = tpu.sem_alloc : memref<!tpu.dma_semaphore, #tpu.memory_space<semaphore_mem>>
      %dma_start3A_115 = tpu.memref_slice %arg4[%multiple_of3A_77] : memref<320000xi32, #tpu.memory_space<hbm>> -> memref<16xi32, #tpu.memory_space<hbm>>
      %dma_start3A_116 = tpu.memref_slice %arg4[%multiple_of3A_77] : memref<320000xi32, #tpu.memory_space<hbm>> -> memref<16xi32, #tpu.memory_space<hbm>>
      tpu.enqueue_dma source(%dma_start3A_116 : memref<16xi32, #tpu.memory_space<hbm>>) target(%arg10 : memref<16xi32, #tpu.memory_space<vmem>>) target_semaphore(%run_scoped3A : memref<!tpu.dma_semaphore, #tpu.memory_space<semaphore_mem>>)
      %dma_wait3A_117 = tpu.memref_slice %arg4[%multiple_of3A_77] : memref<320000xi32, #tpu.memory_space<hbm>> -> memref<16xi32, #tpu.memory_space<hbm>>
      %dma_wait3A_118 = tpu.memref_slice %arg4[%multiple_of3A_77] : memref<320000xi32, #tpu.memory_space<hbm>> -> memref<16xi32, #tpu.memory_space<hbm>>
      tpu.wait_dma2 semaphore(%run_scoped3A : memref<!tpu.dma_semaphore, #tpu.memory_space<semaphore_mem>>) src(%dma_wait3A_118 : memref<16xi32, #tpu.memory_space<hbm>>) dst(%arg10 : memref<16xi32, #tpu.memory_space<vmem>>)
      tpu.yield
    }) : () -> ()
    %multiple_of3A_78 = arith.constant 9984 : i32
    %multiple_of3A_79 = tpu.assume_multiple %multiple_of3A_78, 8 : i32
    "tpu.region"() ({
      %run_scoped3A = tpu.sem_alloc : memref<!tpu.dma_semaphore, #tpu.memory_space<semaphore_mem>>
      %dma_start3A_115 = arith.constant 0 : i32
      %dma_start3A_116 = arith.constant 0 : i32
      %dma_start3A_117 = tpu.memref_slice %arg11[%dma_start3A_115, %dma_start3A_116] : memref<128x128xf32, #tpu.memory_space<vmem>> -> memref<16x128xf32, #tpu.memory_space<vmem>>
      %dma_start3A_118 = tpu.memref_slice %arg7[%multiple_of3A_79] : memref<10000xi32, #tpu.memory_space<vmem>> -> memref<16xi32, #tpu.memory_space<vmem>>
      %dma_start3A_119 = arith.constant 0 : i32
      %dma_start3A_120 = arith.constant 0 : i32
      %dma_start3A_121 = tpu.memref_slice %arg2[%dma_start3A_119, %dma_start3A_120] : memref<10000x128xf32, #tpu.memory_space<hbm>> -> memref<10000x128xf32, #tpu.memory_space<hbm>>
      tpu.enqueue_indirect_dma source(%dma_start3A_121 : memref<10000x128xf32, #tpu.memory_space<hbm>>) target(%dma_start3A_117 : memref<16x128xf32, #tpu.memory_space<vmem>>) offsets(%dma_start3A_118 : memref<16xi32, #tpu.memory_space<vmem>>) semaphore(%run_scoped3A : memref<!tpu.dma_semaphore, #tpu.memory_space<semaphore_mem>>)
      %dma_wait3A_122 = arith.constant 0 : i32
      %dma_wait3A_123 = arith.constant 0 : i32
      %dma_wait3A_124 = tpu.memref_slice %arg11[%dma_wait3A_122, %dma_wait3A_123] : memref<128x128xf32, #tpu.memory_space<vmem>> -> memref<16x128xf32, #tpu.memory_space<vmem>>
      %dma_wait3A_125 = tpu.memref_slice %arg7[%multiple_of3A_79] : memref<10000xi32, #tpu.memory_space<vmem>> -> memref<16xi32, #tpu.memory_space<vmem>>
      %dma_wait3A_126 = arith.constant 0 : i32
      %dma_wait3A_127 = arith.constant 0 : i32
      %dma_wait3A_128 = tpu.memref_slice %arg2[%dma_wait3A_126, %dma_wait3A_127] : memref<10000x128xf32, #tpu.memory_space<hbm>> -> memref<10000x128xf32, #tpu.memory_space<hbm>>
      tpu.wait_indirect_dma semaphore(%run_scoped3A : memref<!tpu.dma_semaphore, #tpu.memory_space<semaphore_mem>>) src(%dma_wait3A_128 : memref<10000x128xf32, #tpu.memory_space<hbm>>) dst(%dma_wait3A_124 : memref<16x128xf32, #tpu.memory_space<vmem>>)
      tpu.yield
    }) : () -> ()
    "tpu.region"() ({
      %run_scoped3A = tpu.sem_alloc : memref<!tpu.dma_semaphore, #tpu.memory_space<semaphore_mem>>
      %dma_start3A_115 = arith.constant 0 : i32
      %dma_start3A_116 = arith.constant 0 : i32
      %dma_start3A_117 = tpu.memref_slice %arg11[%dma_start3A_115, %dma_start3A_116] : memref<128x128xf32, #tpu.memory_space<vmem>> -> memref<16x128xf32, #tpu.memory_space<vmem>>
      %dma_start3A_118 = arith.constant 0 : i32
      %dma_start3A_119 = arith.constant 0 : i32
      %dma_start3A_120 = tpu.memref_slice %arg6[%dma_start3A_118, %dma_start3A_119] : memref<10000x128xf32, #tpu.memory_space<vmem_shared>> -> memref<10000x128xf32, #tpu.memory_space<vmem_shared>>
      tpu.enqueue_indirect_dma source(%dma_start3A_117 : memref<16x128xf32, #tpu.memory_space<vmem>>) target(%dma_start3A_120 : memref<10000x128xf32, #tpu.memory_space<vmem_shared>>) offsets(%arg10 : memref<16xi32, #tpu.memory_space<vmem>>) semaphore(%run_scoped3A : memref<!tpu.dma_semaphore, #tpu.memory_space<semaphore_mem>>) {add = true}
      %dma_wait3A_121 = arith.constant 0 : i32
      %dma_wait3A_122 = arith.constant 0 : i32
      %dma_wait3A_123 = tpu.memref_slice %arg11[%dma_wait3A_121, %dma_wait3A_122] : memref<128x128xf32, #tpu.memory_space<vmem>> -> memref<16x128xf32, #tpu.memory_space<vmem>>
      %dma_wait3A_124 = arith.constant 0 : i32
      %dma_wait3A_125 = arith.constant 0 : i32
      %dma_wait3A_126 = tpu.memref_slice %arg6[%dma_wait3A_124, %dma_wait3A_125] : memref<10000x128xf32, #tpu.memory_space<vmem_shared>> -> memref<10000x128xf32, #tpu.memory_space<vmem_shared>>
      tpu.wait_indirect_dma semaphore(%run_scoped3A : memref<!tpu.dma_semaphore, #tpu.memory_space<semaphore_mem>>) src(%dma_wait3A_123 : memref<16x128xf32, #tpu.memory_space<vmem>>) dst(%dma_wait3A_126 : memref<10000x128xf32, #tpu.memory_space<vmem_shared>>)
      tpu.yield
    }) : () -> ()
    %barrier3A_80 = arith.constant 0 : index
    tpu.barrier barrier_id(%barrier3A_80)
    %jit3A_81 = arith.constant 80 : i32
    %div3A_82 = arith.divsi %min3A_6, %jit3A_81 : i32
    %sign3A_83 = arith.constant 0 : i32
    %sign3A_84 = arith.cmpi sgt, %min3A_6, %sign3A_83 : i32
    %sign3A_85 = arith.extui %sign3A_84 : i1 to i32
    %sign3A_86 = arith.constant 0 : i32
    %sign3A_87 = arith.cmpi slt, %min3A_6, %sign3A_86 : i32
    %sign3A_88 = arith.extui %sign3A_87 : i1 to i32
    %sign3A_89 = arith.subi %sign3A_85, %sign3A_88 : i32
    %sign3A_90 = arith.constant 0 : i32
    %sign3A_91 = arith.cmpi sgt, %jit3A_81, %sign3A_90 : i32
    %sign3A_92 = arith.extui %sign3A_91 : i1 to i32
    %sign3A_93 = arith.constant 0 : i32
    %sign3A_94 = arith.cmpi slt, %jit3A_81, %sign3A_93 : i32
    %sign3A_95 = arith.extui %sign3A_94 : i1 to i32
    %sign3A_96 = arith.subi %sign3A_92, %sign3A_95 : i32
    %ne3A_97 = arith.cmpi ne, %sign3A_89, %sign3A_96 : i32
    %rem3A_98 = arith.remsi %min3A_6, %jit3A_81 : i32
    %ne3A_99 = arith.constant 0 : i32
    %ne3A_100 = arith.cmpi ne, %rem3A_98, %ne3A_99 : i32
    %and3A_101 = arith.andi %ne3A_97, %ne3A_100 : i1
    %sub3A_102 = arith.constant 1 : i32
    %sub3A_103 = arith.subi %div3A_82, %sub3A_102 : i32
    %select_n3A_104 = arith.select %and3A_101, %sub3A_103, %div3A_82 : i32
    %while3A_105 = arith.constant 0 : i32
    %while3A_106 = arith.constant 0 : i32
    %while3A_107 = arith.subi %select_n3A_104, %while3A_106 : i32
    %while3A_108 = arith.addi %while3A_106, %while3A_107 : i32
    %while3A_109 = arith.constant 1 : i32
    %while3A_110 = arith.divsi %while3A_107, %while3A_109 : i32
    %while3A_111 = arith.muli %while3A_110, %while3A_109 : i32
    %while3A_112 = arith.addi %while3A_106, %while3A_111 : i32
    %while3A_113 = arith.constant 1 : i32
    scf.for %while3A_115 = %while3A_106 to %while3A_112 step %while3A_113  : i32 {
      %mul3A_116 = arith.constant 80 : i32
      %mul3A_117 = arith.muli %while3A_115, %mul3A_116 : i32
      %add3A_118 = arith.addi %mul3A_4, %mul3A_117 : i32
      %multiple_of3A_119 = tpu.assume_multiple %add3A_118, 8 : i32
      "tpu.region"() ({
        %run_scoped3A = tpu.sem_alloc : memref<!tpu.dma_semaphore, #tpu.memory_space<semaphore_mem>>
        %dma_start3A_120 = arith.constant 0 : i32
        %dma_start3A_121 = tpu.memref_slice %arg5[%arg0, %multiple_of3A_119, %dma_start3A_120] : memref<2x10000x128xf32, #tpu.memory_space<hbm>> -> memref<1x80x128xf32, #tpu.memory_space<hbm>>
        %dma_start3A_122 = tpu.memref_squeeze %dma_start3A_121 : memref<1x80x128xf32, #tpu.memory_space<hbm>> -> memref<80x128xf32, #tpu.memory_space<hbm>>
        %dma_start3A_123 = arith.constant 0 : i32
        %dma_start3A_124 = tpu.memref_slice %arg6[%multiple_of3A_119, %dma_start3A_123] : memref<10000x128xf32, #tpu.memory_space<vmem_shared>> -> memref<80x128xf32, #tpu.memory_space<vmem_shared>>
        tpu.enqueue_dma source(%dma_start3A_124 : memref<80x128xf32, #tpu.memory_space<vmem_shared>>) target(%dma_start3A_122 : memref<80x128xf32, #tpu.memory_space<hbm>>) target_semaphore(%run_scoped3A : memref<!tpu.dma_semaphore, #tpu.memory_space<semaphore_mem>>)
        %dma_wait3A_125 = arith.constant 0 : i32
        %dma_wait3A_126 = tpu.memref_slice %arg5[%arg0, %multiple_of3A_119, %dma_wait3A_125] : memref<2x10000x128xf32, #tpu.memory_space<hbm>> -> memref<1x80x128xf32, #tpu.memory_space<hbm>>
        %dma_wait3A_127 = tpu.memref_squeeze %dma_wait3A_126 : memref<1x80x128xf32, #tpu.memory_space<hbm>> -> memref<80x128xf32, #tpu.memory_space<hbm>>
        %dma_wait3A_128 = arith.constant 0 : i32
        %dma_wait3A_129 = tpu.memref_slice %arg6[%multiple_of3A_119, %dma_wait3A_128] : memref<10000x128xf32, #tpu.memory_space<vmem_shared>> -> memref<80x128xf32, #tpu.memory_space<vmem_shared>>
        tpu.wait_dma2 semaphore(%run_scoped3A : memref<!tpu.dma_semaphore, #tpu.memory_space<semaphore_mem>>) src(%dma_wait3A_129 : memref<80x128xf32, #tpu.memory_space<vmem_shared>>) dst(%dma_wait3A_127 : memref<80x128xf32, #tpu.memory_space<hbm>>)
        tpu.yield
      }) : () -> ()
    }
    %while3A_114 = arith.constant 1 : i32
    scf.for %while3A_115 = %while3A_112 to %while3A_108 step %while3A_114  : i32 {
      %mul3A_116 = arith.constant 80 : i32
      %mul3A_117 = arith.muli %while3A_115, %mul3A_116 : i32
      %add3A_118 = arith.addi %mul3A_4, %mul3A_117 : i32
      %multiple_of3A_119 = tpu.assume_multiple %add3A_118, 8 : i32
      "tpu.region"() ({
        %run_scoped3A = tpu.sem_alloc : memref<!tpu.dma_semaphore, #tpu.memory_space<semaphore_mem>>
        %dma_start3A_120 = arith.constant 0 : i32
        %dma_start3A_121 = tpu.memref_slice %arg5[%arg0, %multiple_of3A_119, %dma_start3A_120] : memref<2x10000x128xf32, #tpu.memory_space<hbm>> -> memref<1x80x128xf32, #tpu.memory_space<hbm>>
        %dma_start3A_122 = tpu.memref_squeeze %dma_start3A_121 : memref<1x80x128xf32, #tpu.memory_space<hbm>> -> memref<80x128xf32, #tpu.memory_space<hbm>>
        %dma_start3A_123 = arith.constant 0 : i32
        %dma_start3A_124 = tpu.memref_slice %arg6[%multiple_of3A_119, %dma_start3A_123] : memref<10000x128xf32, #tpu.memory_space<vmem_shared>> -> memref<80x128xf32, #tpu.memory_space<vmem_shared>>
        tpu.enqueue_dma source(%dma_start3A_124 : memref<80x128xf32, #tpu.memory_space<vmem_shared>>) target(%dma_start3A_122 : memref<80x128xf32, #tpu.memory_space<hbm>>) target_semaphore(%run_scoped3A : memref<!tpu.dma_semaphore, #tpu.memory_space<semaphore_mem>>)
        %dma_wait3A_125 = arith.constant 0 : i32
        %dma_wait3A_126 = tpu.memref_slice %arg5[%arg0, %multiple_of3A_119, %dma_wait3A_125] : memref<2x10000x128xf32, #tpu.memory_space<hbm>> -> memref<1x80x128xf32, #tpu.memory_space<hbm>>
        %dma_wait3A_127 = tpu.memref_squeeze %dma_wait3A_126 : memref<1x80x128xf32, #tpu.memory_space<hbm>> -> memref<80x128xf32, #tpu.memory_space<hbm>>
        %dma_wait3A_128 = arith.constant 0 : i32
        %dma_wait3A_129 = tpu.memref_slice %arg6[%multiple_of3A_119, %dma_wait3A_128] : memref<10000x128xf32, #tpu.memory_space<vmem_shared>> -> memref<80x128xf32, #tpu.memory_space<vmem_shared>>
        tpu.wait_dma2 semaphore(%run_scoped3A : memref<!tpu.dma_semaphore, #tpu.memory_space<semaphore_mem>>) src(%dma_wait3A_129 : memref<80x128xf32, #tpu.memory_space<vmem_shared>>) dst(%dma_wait3A_127 : memref<80x128xf32, #tpu.memory_space<hbm>>)
        tpu.yield
      }) : () -> ()
    }
    return
  }
}

#map = affine_map<(d0, d1) -> (0, 0)>
#map1 = affine_map<(d0, d1) -> (0)>
#map2 = affine_map<(d0, d1) -> (0, 0, 0)>
module attributes {stable_mosaic.version = 14 : i64} {
  func.func @_sc_segment_sum(%arg0: i32, %arg1: i32, %arg2: memref<10000x128xf32, #tpu.memory_space<hbm>>, %arg3: memref<320000xi32, #tpu.memory_space<hbm>>, %arg4: memref<320000xi32, #tpu.memory_space<hbm>>, %arg5: memref<2x10000x128xf32, #tpu.memory_space<hbm>>, %arg6: memref<10000x128xf32, #tpu.memory_space<vmem_shared>>, %arg7: memref<10000xi32, #tpu.memory_space<vmem>>, %arg8: memref<128xi32, #tpu.memory_space<vmem>>, %arg9: memref<128xi32, #tpu.memory_space<vmem>>, %arg10: memref<16xi32, #tpu.memory_space<vmem>>, %arg11: memref<128x128xf32, #tpu.memory_space<vmem>>, %arg12: memref<128x128xf32, #tpu.memory_space<vmem>>, %arg13: memref<40x128xf32, #tpu.memory_space<vmem>>, %arg14: memref<!tpu.dma_semaphore, #tpu.memory_space<semaphore_mem>>, %arg15: memref<!tpu.dma_semaphore, #tpu.memory_space<semaphore_mem>>, %arg16: memref<!tpu.dma_semaphore, #tpu.memory_space<semaphore_mem>>, %arg17: memref<!tpu.dma_semaphore, #tpu.memory_space<semaphore_mem>>, %arg18: memref<!tpu.dma_semaphore, #tpu.memory_space<semaphore_mem>>, %arg19: memref<!tpu.dma_semaphore, #tpu.memory_space<semaphore_mem>>) attributes {dimension_semantics = [#tpu.dimension_semantics<core_parallel>, #tpu.dimension_semantics<subcore_parallel>], iteration_bounds = array<i64: 2, 16>, scalar_prefetch = 0 : i64, scratch_operands = 14 : i64, tpu.core_type = #tpu.core_type<sc_vector_subcore>, window_params = [{transform_indices = #map}, {transform_indices = #map1}, {transform_indices = #map1}, {transform_indices = #map2}]} {
    %mul3A = arith.constant 16 : i32
    %mul3A_0 = arith.muli %arg0, %mul3A : i32
    %add3A = arith.addi %mul3A_0, %arg1 : i32
    %mul3A_1 = arith.constant 10000 : i32
    %mul3A_2 = arith.muli %add3A, %mul3A_1 : i32
    %multiple_of3A = tpu.assume_multiple %mul3A_2, 8 : i32
    "tpu.region"() ({
      %run_scoped3A = tpu.sem_alloc : memref<!tpu.dma_semaphore, #tpu.memory_space<semaphore_mem>>
      %dma_start3A_115 = tpu.memref_slice %arg3[%multiple_of3A] : memref<320000xi32, #tpu.memory_space<hbm>> -> memref<10000xi32, #tpu.memory_space<hbm>>
      %dma_start3A_116 = tpu.memref_slice %arg3[%multiple_of3A] : memref<320000xi32, #tpu.memory_space<hbm>> -> memref<10000xi32, #tpu.memory_space<hbm>>
      tpu.enqueue_dma source(%dma_start3A_116 : memref<10000xi32, #tpu.memory_space<hbm>>) target(%arg7 : memref<10000xi32, #tpu.memory_space<vmem>>) target_semaphore(%run_scoped3A : memref<!tpu.dma_semaphore, #tpu.memory_space<semaphore_mem>>)
      %dma_wait3A_117 = tpu.memref_slice %arg3[%multiple_of3A] : memref<320000xi32, #tpu.memory_space<hbm>> -> memref<10000xi32, #tpu.memory_space<hbm>>
      %dma_wait3A_118 = tpu.memref_slice %arg3[%multiple_of3A] : memref<320000xi32, #tpu.memory_space<hbm>> -> memref<10000xi32, #tpu.memory_space<hbm>>
      tpu.wait_dma2 semaphore(%run_scoped3A : memref<!tpu.dma_semaphore, #tpu.memory_space<semaphore_mem>>) src(%dma_wait3A_118 : memref<10000xi32, #tpu.memory_space<hbm>>) dst(%arg7 : memref<10000xi32, #tpu.memory_space<vmem>>)
      tpu.yield
    }) : () -> ()
    %mul3A_3 = arith.constant 640 : i32
    %mul3A_4 = arith.muli %arg1, %mul3A_3 : i32
    %sub3A = arith.constant 10000 : i32
    %sub3A_5 = arith.subi %sub3A, %mul3A_4 : i32
    %min3A = arith.constant 640 : i32
    %min3A_6 = arith.minsi %min3A, %sub3A_5 : i32
    %add3A_7 = arith.constant 0 : i32
    %add3A_8 = arith.addi %multiple_of3A, %add3A_7 : i32
    %multiple_of3A_9 = tpu.assume_multiple %add3A_8, 8 : i32
    %dma_start3A = tpu.memref_slice %arg4[%multiple_of3A_9] : memref<320000xi32, #tpu.memory_space<hbm>> -> memref<128xi32, #tpu.memory_space<hbm>>
    %dma_start3A_10 = tpu.memref_slice %arg4[%multiple_of3A_9] : memref<320000xi32, #tpu.memory_space<hbm>> -> memref<128xi32, #tpu.memory_space<hbm>>
    tpu.enqueue_dma source(%dma_start3A_10 : memref<128xi32, #tpu.memory_space<hbm>>) target(%arg8 : memref<128xi32, #tpu.memory_space<vmem>>) target_semaphore(%arg16 : memref<!tpu.dma_semaphore, #tpu.memory_space<semaphore_mem>>)
    %multiple_of3A_11 = arith.constant 0 : i32
    %multiple_of3A_12 = tpu.assume_multiple %multiple_of3A_11, 8 : i32
    %dma_start3A_13 = tpu.memref_slice %arg7[%multiple_of3A_12] : memref<10000xi32, #tpu.memory_space<vmem>> -> memref<128xi32, #tpu.memory_space<vmem>>
    %dma_start3A_14 = arith.constant 0 : i32
    %dma_start3A_15 = arith.constant 0 : i32
    %dma_start3A_16 = tpu.memref_slice %arg2[%dma_start3A_14, %dma_start3A_15] : memref<10000x128xf32, #tpu.memory_space<hbm>> -> memref<10000x128xf32, #tpu.memory_space<hbm>>
    tpu.enqueue_indirect_dma source(%dma_start3A_16 : memref<10000x128xf32, #tpu.memory_space<hbm>>) target(%arg11 : memref<128x128xf32, #tpu.memory_space<vmem>>) offsets(%dma_start3A_13 : memref<128xi32, #tpu.memory_space<vmem>>) semaphore(%arg14 : memref<!tpu.dma_semaphore, #tpu.memory_space<semaphore_mem>>)
    %add3A_17 = arith.constant 128 : i32
    %add3A_18 = arith.addi %multiple_of3A, %add3A_17 : i32
    %multiple_of3A_19 = tpu.assume_multiple %add3A_18, 8 : i32
    %dma_start3A_20 = tpu.memref_slice %arg4[%multiple_of3A_19] : memref<320000xi32, #tpu.memory_space<hbm>> -> memref<128xi32, #tpu.memory_space<hbm>>
    %dma_start3A_21 = tpu.memref_slice %arg4[%multiple_of3A_19] : memref<320000xi32, #tpu.memory_space<hbm>> -> memref<128xi32, #tpu.memory_space<hbm>>
    tpu.enqueue_dma source(%dma_start3A_21 : memref<128xi32, #tpu.memory_space<hbm>>) target(%arg9 : memref<128xi32, #tpu.memory_space<vmem>>) target_semaphore(%arg17 : memref<!tpu.dma_semaphore, #tpu.memory_space<semaphore_mem>>)
    %multiple_of3A_22 = arith.constant 128 : i32
    %multiple_of3A_23 = tpu.assume_multiple %multiple_of3A_22, 8 : i32
    %dma_start3A_24 = tpu.memref_slice %arg7[%multiple_of3A_23] : memref<10000xi32, #tpu.memory_space<vmem>> -> memref<128xi32, #tpu.memory_space<vmem>>
    %dma_start3A_25 = arith.constant 0 : i32
    %dma_start3A_26 = arith.constant 0 : i32
    %dma_start3A_27 = tpu.memref_slice %arg2[%dma_start3A_25, %dma_start3A_26] : memref<10000x128xf32, #tpu.memory_space<hbm>> -> memref<10000x128xf32, #tpu.memory_space<hbm>>
    tpu.enqueue_indirect_dma source(%dma_start3A_27 : memref<10000x128xf32, #tpu.memory_space<hbm>>) target(%arg12 : memref<128x128xf32, #tpu.memory_space<vmem>>) offsets(%dma_start3A_24 : memref<128xi32, #tpu.memory_space<vmem>>) semaphore(%arg15 : memref<!tpu.dma_semaphore, #tpu.memory_space<semaphore_mem>>)
    %broadcast_in_dim3A = arith.constant 0.000000e+00 : f32
    %broadcast_in_dim3A_28 = vector.broadcast %broadcast_in_dim3A : f32 to vector<16xf32>
    %scan3A = arith.constant 0 : i32
    %scan3A_29 = arith.constant 0 : i32
    %scan3A_30 = arith.constant 40 : i32
    %scan3A_31 = arith.addi %scan3A_29, %scan3A_30 : i32
    %scan3A_32 = arith.constant 1 : i32
    scf.for %scan3A_115 = %scan3A_29 to %scan3A_31 step %scan3A_32  : i32 {
      %swap3A = arith.index_cast %scan3A_115 : i32 to index
      %swap3A_116 = arith.constant 0 : index
      %swap3A_117 = tpu.vector_load %arg13[%swap3A, %swap3A_116] {strides = array<i32>} : memref<40x128xf32, #tpu.memory_space<vmem>>, vector<1x16xf32>,
      %swap3A_118 = vector.shape_cast %swap3A_117 : vector<1x16xf32> to vector<16xf32>
      %swap3A_119 = vector.shape_cast %broadcast_in_dim3A_28 : vector<16xf32> to vector<1x16xf32>
      tpu.vector_store %arg13[%swap3A, %swap3A_116], %swap3A_119 {strides = array<i32>} : memref<40x128xf32, #tpu.memory_space<vmem>>, vector<1x16xf32>,
      %swap3A_120 = arith.index_cast %scan3A_115 : i32 to index
      %swap3A_121 = arith.constant 16 : index
      %swap3A_122 = tpu.vector_load %arg13[%swap3A_120, %swap3A_121] {strides = array<i32>} : memref<40x128xf32, #tpu.memory_space<vmem>>, vector<1x16xf32>,
      %swap3A_123 = vector.shape_cast %swap3A_122 : vector<1x16xf32> to vector<16xf32>
      %swap3A_124 = vector.shape_cast %broadcast_in_dim3A_28 : vector<16xf32> to vector<1x16xf32>
      tpu.vector_store %arg13[%swap3A_120, %swap3A_121], %swap3A_124 {strides = array<i32>} : memref<40x128xf32, #tpu.memory_space<vmem>>, vector<1x16xf32>,
      %swap3A_125 = arith.index_cast %scan3A_115 : i32 to index
      %swap3A_126 = arith.constant 32 : index
      %swap3A_127 = tpu.vector_load %arg13[%swap3A_125, %swap3A_126] {strides = array<i32>} : memref<40x128xf32, #tpu.memory_space<vmem>>, vector<1x16xf32>,
      %swap3A_128 = vector.shape_cast %swap3A_127 : vector<1x16xf32> to vector<16xf32>
      %swap3A_129 = vector.shape_cast %broadcast_in_dim3A_28 : vector<16xf32> to vector<1x16xf32>
      tpu.vector_store %arg13[%swap3A_125, %swap3A_126], %swap3A_129 {strides = array<i32>} : memref<40x128xf32, #tpu.memory_space<vmem>>, vector<1x16xf32>,
      %swap3A_130 = arith.index_cast %scan3A_115 : i32 to index
      %swap3A_131 = arith.constant 48 : index
      %swap3A_132 = tpu.vector_load %arg13[%swap3A_130, %swap3A_131] {strides = array<i32>} : memref<40x128xf32, #tpu.memory_space<vmem>>, vector<1x16xf32>,
      %swap3A_133 = vector.shape_cast %swap3A_132 : vector<1x16xf32> to vector<16xf32>
      %swap3A_134 = vector.shape_cast %broadcast_in_dim3A_28 : vector<16xf32> to vector<1x16xf32>
      tpu.vector_store %arg13[%swap3A_130, %swap3A_131], %swap3A_134 {strides = array<i32>} : memref<40x128xf32, #tpu.memory_space<vmem>>, vector<1x16xf32>,
      %swap3A_135 = arith.index_cast %scan3A_115 : i32 to index
      %swap3A_136 = arith.constant 64 : index
      %swap3A_137 = tpu.vector_load %arg13[%swap3A_135, %swap3A_136] {strides = array<i32>} : memref<40x128xf32, #tpu.memory_space<vmem>>, vector<1x16xf32>,
      %swap3A_138 = vector.shape_cast %swap3A_137 : vector<1x16xf32> to vector<16xf32>
      %swap3A_139 = vector.shape_cast %broadcast_in_dim3A_28 : vector<16xf32> to vector<1x16xf32>
      tpu.vector_store %arg13[%swap3A_135, %swap3A_136], %swap3A_139 {strides = array<i32>} : memref<40x128xf32, #tpu.memory_space<vmem>>, vector<1x16xf32>,
      %swap3A_140 = arith.index_cast %scan3A_115 : i32 to index
      %swap3A_141 = arith.constant 80 : index
      %swap3A_142 = tpu.vector_load %arg13[%swap3A_140, %swap3A_141] {strides = array<i32>} : memref<40x128xf32, #tpu.memory_space<vmem>>, vector<1x16xf32>,
      %swap3A_143 = vector.shape_cast %swap3A_142 : vector<1x16xf32> to vector<16xf32>
      %swap3A_144 = vector.shape_cast %broadcast_in_dim3A_28 : vector<16xf32> to vector<1x16xf32>
      tpu.vector_store %arg13[%swap3A_140, %swap3A_141], %swap3A_144 {strides = array<i32>} : memref<40x128xf32, #tpu.memory_space<vmem>>, vector<1x16xf32>,
      %swap3A_145 = arith.index_cast %scan3A_115 : i32 to index
      %swap3A_146 = arith.constant 96 : index
      %swap3A_147 = tpu.vector_load %arg13[%swap3A_145, %swap3A_146] {strides = array<i32>} : memref<40x128xf32, #tpu.memory_space<vmem>>, vector<1x16xf32>,
      %swap3A_148 = vector.shape_cast %swap3A_147 : vector<1x16xf32> to vector<16xf32>
      %swap3A_149 = vector.shape_cast %broadcast_in_dim3A_28 : vector<16xf32> to vector<1x16xf32>
      tpu.vector_store %arg13[%swap3A_145, %swap3A_146], %swap3A_149 {strides = array<i32>} : memref<40x128xf32, #tpu.memory_space<vmem>>, vector<1x16xf32>,
      %swap3A_150 = arith.index_cast %scan3A_115 : i32 to index
      %swap3A_151 = arith.constant 112 : index
      %swap3A_152 = tpu.vector_load %arg13[%swap3A_150, %swap3A_151] {strides = array<i32>} : memref<40x128xf32, #tpu.memory_space<vmem>>, vector<1x16xf32>,
      %swap3A_153 = vector.shape_cast %swap3A_152 : vector<1x16xf32> to vector<16xf32>
      %swap3A_154 = vector.shape_cast %broadcast_in_dim3A_28 : vector<16xf32> to vector<1x16xf32>
      tpu.vector_store %arg13[%swap3A_150, %swap3A_151], %swap3A_154 {strides = array<i32>} : memref<40x128xf32, #tpu.memory_space<vmem>>, vector<1x16xf32>,
    }
    %scan3A_33 = arith.constant 40 : i32
    %jit3A = arith.constant 40 : i32
    %div3A = arith.divsi %min3A_6, %jit3A : i32
    %sign3A = arith.constant 0 : i32
    %sign3A_34 = arith.cmpi sgt, %min3A_6, %sign3A : i32
    %sign3A_35 = arith.extui %sign3A_34 : i1 to i32
    %sign3A_36 = arith.constant 0 : i32
    %sign3A_37 = arith.cmpi slt, %min3A_6, %sign3A_36 : i32
    %sign3A_38 = arith.extui %sign3A_37 : i1 to i32
    %sign3A_39 = arith.subi %sign3A_35, %sign3A_38 : i32
    %sign3A_40 = arith.constant 0 : i32
    %sign3A_41 = arith.cmpi sgt, %jit3A, %sign3A_40 : i32
    %sign3A_42 = arith.extui %sign3A_41 : i1 to i32
    %sign3A_43 = arith.constant 0 : i32
    %sign3A_44 = arith.cmpi slt, %jit3A, %sign3A_43 : i32
    %sign3A_45 = arith.extui %sign3A_44 : i1 to i32
    %sign3A_46 = arith.subi %sign3A_42, %sign3A_45 : i32
    %ne3A = arith.cmpi ne, %sign3A_39, %sign3A_46 : i32
    %rem3A = arith.remsi %min3A_6, %jit3A : i32
    %ne3A_47 = arith.constant 0 : i32
    %ne3A_48 = arith.cmpi ne, %rem3A, %ne3A_47 : i32
    %and3A = arith.andi %ne3A, %ne3A_48 : i1
    %sub3A_49 = arith.constant 1 : i32
    %sub3A_50 = arith.subi %div3A, %sub3A_49 : i32
    %select_n3A = arith.select %and3A, %sub3A_50, %div3A : i32
    %while3A = arith.constant 0 : i32
    %while3A_51 = arith.constant 0 : i32
    %while3A_52 = arith.subi %select_n3A, %while3A_51 : i32
    %while3A_53 = arith.addi %while3A_51, %while3A_52 : i32
    %while3A_54 = arith.constant 1 : i32
    %while3A_55 = arith.divsi %while3A_52, %while3A_54 : i32
    %while3A_56 = arith.muli %while3A_55, %while3A_54 : i32
    %while3A_57 = arith.addi %while3A_51, %while3A_56 : i32
    %while3A_58 = arith.constant 1 : i32
    scf.for %while3A_115 = %while3A_51 to %while3A_57 step %while3A_58  : i32 {
      %mul3A_116 = arith.constant 40 : i32
      %mul3A_117 = arith.muli %while3A_115, %mul3A_116 : i32
      %add3A_118 = arith.addi %mul3A_4, %mul3A_117 : i32
      %multiple_of3A_119 = tpu.assume_multiple %add3A_118, 8 : i32
      "tpu.region"() ({
        %run_scoped3A = tpu.sem_alloc : memref<!tpu.dma_semaphore, #tpu.memory_space<semaphore_mem>>
        %dma_start3A_120 = arith.constant 0 : i32
        %dma_start3A_121 = tpu.memref_slice %arg6[%multiple_of3A_119, %dma_start3A_120] : memref<10000x128xf32, #tpu.memory_space<vmem_shared>> -> memref<40x128xf32, #tpu.memory_space<vmem_shared>>
        %dma_start3A_122 = arith.constant 0 : i32
        %dma_start3A_123 = tpu.memref_slice %arg6[%multiple_of3A_119, %dma_start3A_122] : memref<10000x128xf32, #tpu.memory_space<vmem_shared>> -> memref<40x128xf32, #tpu.memory_space<vmem_shared>>
        tpu.enqueue_dma source(%arg13 : memref<40x128xf32, #tpu.memory_space<vmem>>) target(%dma_start3A_123 : memref<40x128xf32, #tpu.memory_space<vmem_shared>>) target_semaphore(%run_scoped3A : memref<!tpu.dma_semaphore, #tpu.memory_space<semaphore_mem>>)
        %dma_wait3A_124 = arith.constant 0 : i32
        %dma_wait3A_125 = tpu.memref_slice %arg6[%multiple_of3A_119, %dma_wait3A_124] : memref<10000x128xf32, #tpu.memory_space<vmem_shared>> -> memref<40x128xf32, #tpu.memory_space<vmem_shared>>
        %dma_wait3A_126 = arith.constant 0 : i32
        %dma_wait3A_127 = tpu.memref_slice %arg6[%multiple_of3A_119, %dma_wait3A_126] : memref<10000x128xf32, #tpu.memory_space<vmem_shared>> -> memref<40x128xf32, #tpu.memory_space<vmem_shared>>
        tpu.wait_dma2 semaphore(%run_scoped3A : memref<!tpu.dma_semaphore, #tpu.memory_space<semaphore_mem>>) src(%arg13 : memref<40x128xf32, #tpu.memory_space<vmem>>) dst(%dma_wait3A_127 : memref<40x128xf32, #tpu.memory_space<vmem_shared>>)
        tpu.yield
      }) : () -> ()
    }
    %while3A_59 = arith.constant 1 : i32
    scf.for %while3A_115 = %while3A_57 to %while3A_53 step %while3A_59  : i32 {
      %mul3A_116 = arith.constant 40 : i32
      %mul3A_117 = arith.muli %while3A_115, %mul3A_116 : i32
      %add3A_118 = arith.addi %mul3A_4, %mul3A_117 : i32
      %multiple_of3A_119 = tpu.assume_multiple %add3A_118, 8 : i32
      "tpu.region"() ({
        %run_scoped3A = tpu.sem_alloc : memref<!tpu.dma_semaphore, #tpu.memory_space<semaphore_mem>>
        %dma_start3A_120 = arith.constant 0 : i32
        %dma_start3A_121 = tpu.memref_slice %arg6[%multiple_of3A_119, %dma_start3A_120] : memref<10000x128xf32, #tpu.memory_space<vmem_shared>> -> memref<40x128xf32, #tpu.memory_space<vmem_shared>>
        %dma_start3A_122 = arith.constant 0 : i32
        %dma_start3A_123 = tpu.memref_slice %arg6[%multiple_of3A_119, %dma_start3A_122] : memref<10000x128xf32, #tpu.memory_space<vmem_shared>> -> memref<40x128xf32, #tpu.memory_space<vmem_shared>>
        tpu.enqueue_dma source(%arg13 : memref<40x128xf32, #tpu.memory_space<vmem>>) target(%dma_start3A_123 : memref<40x128xf32, #tpu.memory_space<vmem_shared>>) target_semaphore(%run_scoped3A : memref<!tpu.dma_semaphore, #tpu.memory_space<semaphore_mem>>)
        %dma_wait3A_124 = arith.constant 0 : i32
        %dma_wait3A_125 = tpu.memref_slice %arg6[%multiple_of3A_119, %dma_wait3A_124] : memref<10000x128xf32, #tpu.memory_space<vmem_shared>> -> memref<40x128xf32, #tpu.memory_space<vmem_shared>>
        %dma_wait3A_126 = arith.constant 0 : i32
        %dma_wait3A_127 = tpu.memref_slice %arg6[%multiple_of3A_119, %dma_wait3A_126] : memref<10000x128xf32, #tpu.memory_space<vmem_shared>> -> memref<40x128xf32, #tpu.memory_space<vmem_shared>>
        tpu.wait_dma2 semaphore(%run_scoped3A : memref<!tpu.dma_semaphore, #tpu.memory_space<semaphore_mem>>) src(%arg13 : memref<40x128xf32, #tpu.memory_space<vmem>>) dst(%dma_wait3A_127 : memref<40x128xf32, #tpu.memory_space<vmem_shared>>)
        tpu.yield
      }) : () -> ()
    }
    %barrier3A = arith.constant 0 : index
    tpu.barrier barrier_id(%barrier3A)
    %scan3A_60 = arith.constant 0 : i32
    %scan3A_61 = arith.constant 0 : i32
    %scan3A_62 = arith.constant 39 : i32
    %scan3A_63 = arith.addi %scan3A_61, %scan3A_62 : i32
    %scan3A_64 = arith.constant 1 : i32
    scf.for %scan3A_115 = %scan3A_61 to %scan3A_63 step %scan3A_64  : i32 {
      %mul3A_116 = arith.constant 2 : i32
      %mul3A_117 = arith.muli %scan3A_115, %mul3A_116 : i32
      %dma_wait3A_118 = arith.constant 0 : i32
      %dma_wait3A_119 = tpu.memref_slice %arg4[%dma_wait3A_118] : memref<320000xi32, #tpu.memory_space<hbm>> -> memref<128xi32, #tpu.memory_space<hbm>>
      %dma_wait3A_120 = arith.constant 0 : i32
      %dma_wait3A_121 = tpu.memref_slice %arg4[%dma_wait3A_120] : memref<320000xi32, #tpu.memory_space<hbm>> -> memref<128xi32, #tpu.memory_space<hbm>>
      tpu.wait_dma2 semaphore(%arg16 : memref<!tpu.dma_semaphore, #tpu.memory_space<semaphore_mem>>) src(%dma_wait3A_121 : memref<128xi32, #tpu.memory_space<hbm>>) dst(%arg8 : memref<128xi32, #tpu.memory_space<vmem>>)
      %dma_wait3A_122 = arith.constant 0 : i32
      %dma_wait3A_123 = tpu.memref_slice %arg7[%dma_wait3A_122] : memref<10000xi32, #tpu.memory_space<vmem>> -> memref<128xi32, #tpu.memory_space<vmem>>
      %dma_wait3A_124 = arith.constant 0 : i32
      %dma_wait3A_125 = arith.constant 0 : i32
      %dma_wait3A_126 = tpu.memref_slice %arg2[%dma_wait3A_124, %dma_wait3A_125] : memref<10000x128xf32, #tpu.memory_space<hbm>> -> memref<10000x128xf32, #tpu.memory_space<hbm>>
      tpu.wait_indirect_dma semaphore(%arg14 : memref<!tpu.dma_semaphore, #tpu.memory_space<semaphore_mem>>) src(%dma_wait3A_126 : memref<10000x128xf32, #tpu.memory_space<hbm>>) dst(%arg11 : memref<128x128xf32, #tpu.memory_space<vmem>>)
      %dma_start3A_127 = arith.constant 0 : i32
      %dma_start3A_128 = arith.constant 0 : i32
      %dma_start3A_129 = tpu.memref_slice %arg6[%dma_start3A_127, %dma_start3A_128] : memref<10000x128xf32, #tpu.memory_space<vmem_shared>> -> memref<10000x128xf32, #tpu.memory_space<vmem_shared>>
      tpu.enqueue_indirect_dma source(%arg11 : memref<128x128xf32, #tpu.memory_space<vmem>>) target(%dma_start3A_129 : memref<10000x128xf32, #tpu.memory_space<vmem_shared>>) offsets(%arg8 : memref<128xi32, #tpu.memory_space<vmem>>) semaphore(%arg18 : memref<!tpu.dma_semaphore, #tpu.memory_space<semaphore_mem>>) {add = true}
      %add3A_130 = arith.constant 2 : i32
      %add3A_131 = arith.addi %mul3A_117, %add3A_130 : i32
      %lt3A = arith.constant 78 : i32
      %lt3A_132 = arith.cmpi slt, %add3A_131, %lt3A : i32
      %convert_element_type3A = arith.extui %lt3A_132 : i1 to i32
      %cond3A = arith.constant 0 : i32
      %cond3A_133 = arith.cmpi ne, %convert_element_type3A, %cond3A : i32
      scf.if %cond3A_133 {
        %dma_wait3A_153 = arith.constant 0 : i32
        %dma_wait3A_154 = tpu.memref_slice %arg7[%dma_wait3A_153] : memref<10000xi32, #tpu.memory_space<vmem>> -> memref<128xi32, #tpu.memory_space<vmem>>
        %dma_wait3A_155 = arith.constant 0 : i32
        %dma_wait3A_156 = arith.constant 0 : i32
        %dma_wait3A_157 = tpu.memref_slice %arg2[%dma_wait3A_155, %dma_wait3A_156] : memref<10000x128xf32, #tpu.memory_space<hbm>> -> memref<10000x128xf32, #tpu.memory_space<hbm>>
        tpu.wait_indirect_dma semaphore(%arg18 : memref<!tpu.dma_semaphore, #tpu.memory_space<semaphore_mem>>) src(%dma_wait3A_157 : memref<10000x128xf32, #tpu.memory_space<hbm>>) dst(%arg11 : memref<128x128xf32, #tpu.memory_space<vmem>>)
        %add3A_158 = arith.constant 2 : i32
        %add3A_159 = arith.addi %mul3A_117, %add3A_158 : i32
        %mul3A_160 = arith.constant 128 : i32
        %mul3A_161 = arith.muli %add3A_159, %mul3A_160 : i32
        %add3A_162 = arith.addi %multiple_of3A, %mul3A_161 : i32
        %multiple_of3A_163 = tpu.assume_multiple %add3A_162, 8 : i32
        %dma_start3A_164 = tpu.memref_slice %arg4[%multiple_of3A_163] : memref<320000xi32, #tpu.memory_space<hbm>> -> memref<128xi32, #tpu.memory_space<hbm>>
        %dma_start3A_165 = tpu.memref_slice %arg4[%multiple_of3A_163] : memref<320000xi32, #tpu.memory_space<hbm>> -> memref<128xi32, #tpu.memory_space<hbm>>
        tpu.enqueue_dma source(%dma_start3A_165 : memref<128xi32, #tpu.memory_space<hbm>>) target(%arg8 : memref<128xi32, #tpu.memory_space<vmem>>) target_semaphore(%arg16 : memref<!tpu.dma_semaphore, #tpu.memory_space<semaphore_mem>>)
        %mul3A_166 = arith.constant 128 : i32
        %mul3A_167 = arith.muli %add3A_159, %mul3A_166 : i32
        %multiple_of3A_168 = tpu.assume_multiple %mul3A_167, 8 : i32
        %dma_start3A_169 = tpu.memref_slice %arg7[%multiple_of3A_168] : memref<10000xi32, #tpu.memory_space<vmem>> -> memref<128xi32, #tpu.memory_space<vmem>>
        %dma_start3A_170 = arith.constant 0 : i32
        %dma_start3A_171 = arith.constant 0 : i32
        %dma_start3A_172 = tpu.memref_slice %arg2[%dma_start3A_170, %dma_start3A_171] : memref<10000x128xf32, #tpu.memory_space<hbm>> -> memref<10000x128xf32, #tpu.memory_space<hbm>>
        tpu.enqueue_indirect_dma source(%dma_start3A_172 : memref<10000x128xf32, #tpu.memory_space<hbm>>) target(%arg11 : memref<128x128xf32, #tpu.memory_space<vmem>>) offsets(%dma_start3A_169 : memref<128xi32, #tpu.memory_space<vmem>>) semaphore(%arg14 : memref<!tpu.dma_semaphore, #tpu.memory_space<semaphore_mem>>)
      } else {
      }
      %dma_wait3A_134 = arith.constant 0 : i32
      %dma_wait3A_135 = tpu.memref_slice %arg4[%dma_wait3A_134] : memref<320000xi32, #tpu.memory_space<hbm>> -> memref<128xi32, #tpu.memory_space<hbm>>
      %dma_wait3A_136 = arith.constant 0 : i32
      %dma_wait3A_137 = tpu.memref_slice %arg4[%dma_wait3A_136] : memref<320000xi32, #tpu.memory_space<hbm>> -> memref<128xi32, #tpu.memory_space<hbm>>
      tpu.wait_dma2 semaphore(%arg17 : memref<!tpu.dma_semaphore, #tpu.memory_space<semaphore_mem>>) src(%dma_wait3A_137 : memref<128xi32, #tpu.memory_space<hbm>>) dst(%arg9 : memref<128xi32, #tpu.memory_space<vmem>>)
      %dma_wait3A_138 = arith.constant 0 : i32
      %dma_wait3A_139 = tpu.memref_slice %arg7[%dma_wait3A_138] : memref<10000xi32, #tpu.memory_space<vmem>> -> memref<128xi32, #tpu.memory_space<vmem>>
      %dma_wait3A_140 = arith.constant 0 : i32
      %dma_wait3A_141 = arith.constant 0 : i32
      %dma_wait3A_142 = tpu.memref_slice %arg2[%dma_wait3A_140, %dma_wait3A_141] : memref<10000x128xf32, #tpu.memory_space<hbm>> -> memref<10000x128xf32, #tpu.memory_space<hbm>>
      tpu.wait_indirect_dma semaphore(%arg15 : memref<!tpu.dma_semaphore, #tpu.memory_space<semaphore_mem>>) src(%dma_wait3A_142 : memref<10000x128xf32, #tpu.memory_space<hbm>>) dst(%arg12 : memref<128x128xf32, #tpu.memory_space<vmem>>)
      %dma_start3A_143 = arith.constant 0 : i32
      %dma_start3A_144 = arith.constant 0 : i32
      %dma_start3A_145 = tpu.memref_slice %arg6[%dma_start3A_143, %dma_start3A_144] : memref<10000x128xf32, #tpu.memory_space<vmem_shared>> -> memref<10000x128xf32, #tpu.memory_space<vmem_shared>>
      tpu.enqueue_indirect_dma source(%arg12 : memref<128x128xf32, #tpu.memory_space<vmem>>) target(%dma_start3A_145 : memref<10000x128xf32, #tpu.memory_space<vmem_shared>>) offsets(%arg9 : memref<128xi32, #tpu.memory_space<vmem>>) semaphore(%arg19 : memref<!tpu.dma_semaphore, #tpu.memory_space<semaphore_mem>>) {add = true}
      %add3A_146 = arith.constant 3 : i32
      %add3A_147 = arith.addi %mul3A_117, %add3A_146 : i32
      %lt3A_148 = arith.constant 78 : i32
      %lt3A_149 = arith.cmpi slt, %add3A_147, %lt3A_148 : i32
      %convert_element_type3A_150 = arith.extui %lt3A_149 : i1 to i32
      %cond3A_151 = arith.constant 0 : i32
      %cond3A_152 = arith.cmpi ne, %convert_element_type3A_150, %cond3A_151 : i32
      scf.if %cond3A_152 {
        %dma_wait3A_153 = arith.constant 0 : i32
        %dma_wait3A_154 = tpu.memref_slice %arg7[%dma_wait3A_153] : memref<10000xi32, #tpu.memory_space<vmem>> -> memref<128xi32, #tpu.memory_space<vmem>>
        %dma_wait3A_155 = arith.constant 0 : i32
        %dma_wait3A_156 = arith.constant 0 : i32
        %dma_wait3A_157 = tpu.memref_slice %arg2[%dma_wait3A_155, %dma_wait3A_156] : memref<10000x128xf32, #tpu.memory_space<hbm>> -> memref<10000x128xf32, #tpu.memory_space<hbm>>
        tpu.wait_indirect_dma semaphore(%arg19 : memref<!tpu.dma_semaphore, #tpu.memory_space<semaphore_mem>>) src(%dma_wait3A_157 : memref<10000x128xf32, #tpu.memory_space<hbm>>) dst(%arg12 : memref<128x128xf32, #tpu.memory_space<vmem>>)
        %add3A_158 = arith.constant 3 : i32
        %add3A_159 = arith.addi %mul3A_117, %add3A_158 : i32
        %mul3A_160 = arith.constant 128 : i32
        %mul3A_161 = arith.muli %add3A_159, %mul3A_160 : i32
        %add3A_162 = arith.addi %multiple_of3A, %mul3A_161 : i32
        %multiple_of3A_163 = tpu.assume_multiple %add3A_162, 8 : i32
        %dma_start3A_164 = tpu.memref_slice %arg4[%multiple_of3A_163] : memref<320000xi32, #tpu.memory_space<hbm>> -> memref<128xi32, #tpu.memory_space<hbm>>
        %dma_start3A_165 = tpu.memref_slice %arg4[%multiple_of3A_163] : memref<320000xi32, #tpu.memory_space<hbm>> -> memref<128xi32, #tpu.memory_space<hbm>>
        tpu.enqueue_dma source(%dma_start3A_165 : memref<128xi32, #tpu.memory_space<hbm>>) target(%arg9 : memref<128xi32, #tpu.memory_space<vmem>>) target_semaphore(%arg17 : memref<!tpu.dma_semaphore, #tpu.memory_space<semaphore_mem>>)
        %mul3A_166 = arith.constant 128 : i32
        %mul3A_167 = arith.muli %add3A_159, %mul3A_166 : i32
        %multiple_of3A_168 = tpu.assume_multiple %mul3A_167, 8 : i32
        %dma_start3A_169 = tpu.memref_slice %arg7[%multiple_of3A_168] : memref<10000xi32, #tpu.memory_space<vmem>> -> memref<128xi32, #tpu.memory_space<vmem>>
        %dma_start3A_170 = arith.constant 0 : i32
        %dma_start3A_171 = arith.constant 0 : i32
        %dma_start3A_172 = tpu.memref_slice %arg2[%dma_start3A_170, %dma_start3A_171] : memref<10000x128xf32, #tpu.memory_space<hbm>> -> memref<10000x128xf32, #tpu.memory_space<hbm>>
        tpu.enqueue_indirect_dma source(%dma_start3A_172 : memref<10000x128xf32, #tpu.memory_space<hbm>>) target(%arg12 : memref<128x128xf32, #tpu.memory_space<vmem>>) offsets(%dma_start3A_169 : memref<128xi32, #tpu.memory_space<vmem>>) semaphore(%arg15 : memref<!tpu.dma_semaphore, #tpu.memory_space<semaphore_mem>>)
      } else {
      }
    }
    %scan3A_65 = arith.constant 39 : i32
    %dma_wait3A = arith.constant 0 : i32
    %dma_wait3A_66 = tpu.memref_slice %arg7[%dma_wait3A] : memref<10000xi32, #tpu.memory_space<vmem>> -> memref<128xi32, #tpu.memory_space<vmem>>
    %dma_wait3A_67 = arith.constant 0 : i32
    %dma_wait3A_68 = arith.constant 0 : i32
    %dma_wait3A_69 = tpu.memref_slice %arg2[%dma_wait3A_67, %dma_wait3A_68] : memref<10000x128xf32, #tpu.memory_space<hbm>> -> memref<10000x128xf32, #tpu.memory_space<hbm>>
    tpu.wait_indirect_dma semaphore(%arg18 : memref<!tpu.dma_semaphore, #tpu.memory_space<semaphore_mem>>) src(%dma_wait3A_69 : memref<10000x128xf32, #tpu.memory_space<hbm>>) dst(%arg11 : memref<128x128xf32, #tpu.memory_space<vmem>>)
    %dma_wait3A_70 = arith.constant 0 : i32
    %dma_wait3A_71 = tpu.memref_slice %arg7[%dma_wait3A_70] : memref<10000xi32, #tpu.memory_space<vmem>> -> memref<128xi32, #tpu.memory_space<vmem>>
    %dma_wait3A_72 = arith.constant 0 : i32
    %dma_wait3A_73 = arith.constant 0 : i32
    %dma_wait3A_74 = tpu.memref_slice %arg2[%dma_wait3A_72, %dma_wait3A_73] : memref<10000x128xf32, #tpu.memory_space<hbm>> -> memref<10000x128xf32, #tpu.memory_space<hbm>>
    tpu.wait_indirect_dma semaphore(%arg19 : memref<!tpu.dma_semaphore, #tpu.memory_space<semaphore_mem>>) src(%dma_wait3A_74 : memref<10000x128xf32, #tpu.memory_space<hbm>>) dst(%arg12 : memref<128x128xf32, #tpu.memory_space<vmem>>)
    %add3A_75 = arith.constant 9984 : i32
    %add3A_76 = arith.addi %multiple_of3A, %add3A_75 : i32
    %multiple_of3A_77 = tpu.assume_multiple %add3A_76, 8 : i32
    "tpu.region"() ({
      %run_scoped3A = tpu.sem_alloc : memref<!tpu.dma_semaphore, #tpu.memory_space<semaphore_mem>>
      %dma_start3A_115 = tpu.memref_slice %arg4[%multiple_of3A_77] : memref<320000xi32, #tpu.memory_space<hbm>> -> memref<16xi32, #tpu.memory_space<hbm>>
      %dma_start3A_116 = tpu.memref_slice %arg4[%multiple_of3A_77] : memref<320000xi32, #tpu.memory_space<hbm>> -> memref<16xi32, #tpu.memory_space<hbm>>
      tpu.enqueue_dma source(%dma_start3A_116 : memref<16xi32, #tpu.memory_space<hbm>>) target(%arg10 : memref<16xi32, #tpu.memory_space<vmem>>) target_semaphore(%run_scoped3A : memref<!tpu.dma_semaphore, #tpu.memory_space<semaphore_mem>>)
      %dma_wait3A_117 = tpu.memref_slice %arg4[%multiple_of3A_77] : memref<320000xi32, #tpu.memory_space<hbm>> -> memref<16xi32, #tpu.memory_space<hbm>>
      %dma_wait3A_118 = tpu.memref_slice %arg4[%multiple_of3A_77] : memref<320000xi32, #tpu.memory_space<hbm>> -> memref<16xi32, #tpu.memory_space<hbm>>
      tpu.wait_dma2 semaphore(%run_scoped3A : memref<!tpu.dma_semaphore, #tpu.memory_space<semaphore_mem>>) src(%dma_wait3A_118 : memref<16xi32, #tpu.memory_space<hbm>>) dst(%arg10 : memref<16xi32, #tpu.memory_space<vmem>>)
      tpu.yield
    }) : () -> ()
    %multiple_of3A_78 = arith.constant 9984 : i32
    %multiple_of3A_79 = tpu.assume_multiple %multiple_of3A_78, 8 : i32
    "tpu.region"() ({
      %run_scoped3A = tpu.sem_alloc : memref<!tpu.dma_semaphore, #tpu.memory_space<semaphore_mem>>
      %dma_start3A_115 = arith.constant 0 : i32
      %dma_start3A_116 = arith.constant 0 : i32
      %dma_start3A_117 = tpu.memref_slice %arg11[%dma_start3A_115, %dma_start3A_116] : memref<128x128xf32, #tpu.memory_space<vmem>> -> memref<16x128xf32, #tpu.memory_space<vmem>>
      %dma_start3A_118 = tpu.memref_slice %arg7[%multiple_of3A_79] : memref<10000xi32, #tpu.memory_space<vmem>> -> memref<16xi32, #tpu.memory_space<vmem>>
      %dma_start3A_119 = arith.constant 0 : i32
      %dma_start3A_120 = arith.constant 0 : i32
      %dma_start3A_121 = tpu.memref_slice %arg2[%dma_start3A_119, %dma_start3A_120] : memref<10000x128xf32, #tpu.memory_space<hbm>> -> memref<10000x128xf32, #tpu.memory_space<hbm>>
      tpu.enqueue_indirect_dma source(%dma_start3A_121 : memref<10000x128xf32, #tpu.memory_space<hbm>>) target(%dma_start3A_117 : memref<16x128xf32, #tpu.memory_space<vmem>>) offsets(%dma_start3A_118 : memref<16xi32, #tpu.memory_space<vmem>>) semaphore(%run_scoped3A : memref<!tpu.dma_semaphore, #tpu.memory_space<semaphore_mem>>)
      %dma_wait3A_122 = arith.constant 0 : i32
      %dma_wait3A_123 = arith.constant 0 : i32
      %dma_wait3A_124 = tpu.memref_slice %arg11[%dma_wait3A_122, %dma_wait3A_123] : memref<128x128xf32, #tpu.memory_space<vmem>> -> memref<16x128xf32, #tpu.memory_space<vmem>>
      %dma_wait3A_125 = tpu.memref_slice %arg7[%multiple_of3A_79] : memref<10000xi32, #tpu.memory_space<vmem>> -> memref<16xi32, #tpu.memory_space<vmem>>
      %dma_wait3A_126 = arith.constant 0 : i32
      %dma_wait3A_127 = arith.constant 0 : i32
      %dma_wait3A_128 = tpu.memref_slice %arg2[%dma_wait3A_126, %dma_wait3A_127] : memref<10000x128xf32, #tpu.memory_space<hbm>> -> memref<10000x128xf32, #tpu.memory_space<hbm>>
      tpu.wait_indirect_dma semaphore(%run_scoped3A : memref<!tpu.dma_semaphore, #tpu.memory_space<semaphore_mem>>) src(%dma_wait3A_128 : memref<10000x128xf32, #tpu.memory_space<hbm>>) dst(%dma_wait3A_124 : memref<16x128xf32, #tpu.memory_space<vmem>>)
      tpu.yield
    }) : () -> ()
    "tpu.region"() ({
      %run_scoped3A = tpu.sem_alloc : memref<!tpu.dma_semaphore, #tpu.memory_space<semaphore_mem>>
      %dma_start3A_115 = arith.constant 0 : i32
      %dma_start3A_116 = arith.constant 0 : i32
      %dma_start3A_117 = tpu.memref_slice %arg11[%dma_start3A_115, %dma_start3A_116] : memref<128x128xf32, #tpu.memory_space<vmem>> -> memref<16x128xf32, #tpu.memory_space<vmem>>
      %dma_start3A_118 = arith.constant 0 : i32
      %dma_start3A_119 = arith.constant 0 : i32
      %dma_start3A_120 = tpu.memref_slice %arg6[%dma_start3A_118, %dma_start3A_119] : memref<10000x128xf32, #tpu.memory_space<vmem_shared>> -> memref<10000x128xf32, #tpu.memory_space<vmem_shared>>
      tpu.enqueue_indirect_dma source(%dma_start3A_117 : memref<16x128xf32, #tpu.memory_space<vmem>>) target(%dma_start3A_120 : memref<10000x128xf32, #tpu.memory_space<vmem_shared>>) offsets(%arg10 : memref<16xi32, #tpu.memory_space<vmem>>) semaphore(%run_scoped3A : memref<!tpu.dma_semaphore, #tpu.memory_space<semaphore_mem>>) {add = true}
      %dma_wait3A_121 = arith.constant 0 : i32
      %dma_wait3A_122 = arith.constant 0 : i32
      %dma_wait3A_123 = tpu.memref_slice %arg11[%dma_wait3A_121, %dma_wait3A_122] : memref<128x128xf32, #tpu.memory_space<vmem>> -> memref<16x128xf32, #tpu.memory_space<vmem>>
      %dma_wait3A_124 = arith.constant 0 : i32
      %dma_wait3A_125 = arith.constant 0 : i32
      %dma_wait3A_126 = tpu.memref_slice %arg6[%dma_wait3A_124, %dma_wait3A_125] : memref<10000x128xf32, #tpu.memory_space<vmem_shared>> -> memref<10000x128xf32, #tpu.memory_space<vmem_shared>>
      tpu.wait_indirect_dma semaphore(%run_scoped3A : memref<!tpu.dma_semaphore, #tpu.memory_space<semaphore_mem>>) src(%dma_wait3A_123 : memref<16x128xf32, #tpu.memory_space<vmem>>) dst(%dma_wait3A_126 : memref<10000x128xf32, #tpu.memory_space<vmem_shared>>)
      tpu.yield
    }) : () -> ()
    %barrier3A_80 = arith.constant 0 : index
    tpu.barrier barrier_id(%barrier3A_80)
    %jit3A_81 = arith.constant 80 : i32
    %div3A_82 = arith.divsi %min3A_6, %jit3A_81 : i32
    %sign3A_83 = arith.constant 0 : i32
    %sign3A_84 = arith.cmpi sgt, %min3A_6, %sign3A_83 : i32
    %sign3A_85 = arith.extui %sign3A_84 : i1 to i32
    %sign3A_86 = arith.constant 0 : i32
    %sign3A_87 = arith.cmpi slt, %min3A_6, %sign3A_86 : i32
    %sign3A_88 = arith.extui %sign3A_87 : i1 to i32
    %sign3A_89 = arith.subi %sign3A_85, %sign3A_88 : i32
    %sign3A_90 = arith.constant 0 : i32
    %sign3A_91 = arith.cmpi sgt, %jit3A_81, %sign3A_90 : i32
    %sign3A_92 = arith.extui %sign3A_91 : i1 to i32
    %sign3A_93 = arith.constant 0 : i32
    %sign3A_94 = arith.cmpi slt, %jit3A_81, %sign3A_93 : i32
    %sign3A_95 = arith.extui %sign3A_94 : i1 to i32
    %sign3A_96 = arith.subi %sign3A_92, %sign3A_95 : i32
    %ne3A_97 = arith.cmpi ne, %sign3A_89, %sign3A_96 : i32
    %rem3A_98 = arith.remsi %min3A_6, %jit3A_81 : i32
    %ne3A_99 = arith.constant 0 : i32
    %ne3A_100 = arith.cmpi ne, %rem3A_98, %ne3A_99 : i32
    %and3A_101 = arith.andi %ne3A_97, %ne3A_100 : i1
    %sub3A_102 = arith.constant 1 : i32
    %sub3A_103 = arith.subi %div3A_82, %sub3A_102 : i32
    %select_n3A_104 = arith.select %and3A_101, %sub3A_103, %div3A_82 : i32
    %while3A_105 = arith.constant 0 : i32
    %while3A_106 = arith.constant 0 : i32
    %while3A_107 = arith.subi %select_n3A_104, %while3A_106 : i32
    %while3A_108 = arith.addi %while3A_106, %while3A_107 : i32
    %while3A_109 = arith.constant 1 : i32
    %while3A_110 = arith.divsi %while3A_107, %while3A_109 : i32
    %while3A_111 = arith.muli %while3A_110, %while3A_109 : i32
    %while3A_112 = arith.addi %while3A_106, %while3A_111 : i32
    %while3A_113 = arith.constant 1 : i32
    scf.for %while3A_115 = %while3A_106 to %while3A_112 step %while3A_113  : i32 {
      %mul3A_116 = arith.constant 80 : i32
      %mul3A_117 = arith.muli %while3A_115, %mul3A_116 : i32
      %add3A_118 = arith.addi %mul3A_4, %mul3A_117 : i32
      %multiple_of3A_119 = tpu.assume_multiple %add3A_118, 8 : i32
      "tpu.region"() ({
        %run_scoped3A = tpu.sem_alloc : memref<!tpu.dma_semaphore, #tpu.memory_space<semaphore_mem>>
        %dma_start3A_120 = arith.constant 0 : i32
        %dma_start3A_121 = tpu.memref_slice %arg5[%arg0, %multiple_of3A_119, %dma_start3A_120] : memref<2x10000x128xf32, #tpu.memory_space<hbm>> -> memref<1x80x128xf32, #tpu.memory_space<hbm>>
        %dma_start3A_122 = tpu.memref_squeeze %dma_start3A_121 : memref<1x80x128xf32, #tpu.memory_space<hbm>> -> memref<80x128xf32, #tpu.memory_space<hbm>>
        %dma_start3A_123 = arith.constant 0 : i32
        %dma_start3A_124 = tpu.memref_slice %arg6[%multiple_of3A_119, %dma_start3A_123] : memref<10000x128xf32, #tpu.memory_space<vmem_shared>> -> memref<80x128xf32, #tpu.memory_space<vmem_shared>>
        tpu.enqueue_dma source(%dma_start3A_124 : memref<80x128xf32, #tpu.memory_space<vmem_shared>>) target(%dma_start3A_122 : memref<80x128xf32, #tpu.memory_space<hbm>>) target_semaphore(%run_scoped3A : memref<!tpu.dma_semaphore, #tpu.memory_space<semaphore_mem>>)
        %dma_wait3A_125 = arith.constant 0 : i32
        %dma_wait3A_126 = tpu.memref_slice %arg5[%arg0, %multiple_of3A_119, %dma_wait3A_125] : memref<2x10000x128xf32, #tpu.memory_space<hbm>> -> memref<1x80x128xf32, #tpu.memory_space<hbm>>
        %dma_wait3A_127 = tpu.memref_squeeze %dma_wait3A_126 : memref<1x80x128xf32, #tpu.memory_space<hbm>> -> memref<80x128xf32, #tpu.memory_space<hbm>>
        %dma_wait3A_128 = arith.constant 0 : i32
        %dma_wait3A_129 = tpu.memref_slice %arg6[%multiple_of3A_119, %dma_wait3A_128] : memref<10000x128xf32, #tpu.memory_space<vmem_shared>> -> memref<80x128xf32, #tpu.memory_space<vmem_shared>>
        tpu.wait_dma2 semaphore(%run_scoped3A : memref<!tpu.dma_semaphore, #tpu.memory_space<semaphore_mem>>) src(%dma_wait3A_129 : memref<80x128xf32, #tpu.memory_space<vmem_shared>>) dst(%dma_wait3A_127 : memref<80x128xf32, #tpu.memory_space<hbm>>)
        tpu.yield
      }) : () -> ()
    }
    %while3A_114 = arith.constant 1 : i32
    scf.for %while3A_115 = %while3A_112 to %while3A_108 step %while3A_114  : i32 {
      %mul3A_116 = arith.constant 80 : i32
      %mul3A_117 = arith.muli %while3A_115, %mul3A_116 : i32
      %add3A_118 = arith.addi %mul3A_4, %mul3A_117 : i32
      %multiple_of3A_119 = tpu.assume_multiple %add3A_118, 8 : i32
      "tpu.region"() ({
        %run_scoped3A = tpu.sem_alloc : memref<!tpu.dma_semaphore, #tpu.memory_space<semaphore_mem>>
        %dma_start3A_120 = arith.constant 0 : i32
        %dma_start3A_121 = tpu.memref_slice %arg5[%arg0, %multiple_of3A_119, %dma_start3A_120] : memref<2x10000x128xf32, #tpu.memory_space<hbm>> -> memref<1x80x128xf32, #tpu.memory_space<hbm>>
        %dma_start3A_122 = tpu.memref_squeeze %dma_start3A_121 : memref<1x80x128xf32, #tpu.memory_space<hbm>> -> memref<80x128xf32, #tpu.memory_space<hbm>>
        %dma_start3A_123 = arith.constant 0 : i32
        %dma_start3A_124 = tpu.memref_slice %arg6[%multiple_of3A_119, %dma_start3A_123] : memref<10000x128xf32, #tpu.memory_space<vmem_shared>> -> memref<80x128xf32, #tpu.memory_space<vmem_shared>>
        tpu.enqueue_dma source(%dma_start3A_124 : memref<80x128xf32, #tpu.memory_space<vmem_shared>>) target(%dma_start3A_122 : memref<80x128xf32, #tpu.memory_space<hbm>>) target_semaphore(%run_scoped3A : memref<!tpu.dma_semaphore, #tpu.memory_space<semaphore_mem>>)
        %dma_wait3A_125 = arith.constant 0 : i32
        %dma_wait3A_126 = tpu.memref_slice %arg5[%arg0, %multiple_of3A_119, %dma_wait3A_125] : memref<2x10000x128xf32, #tpu.memory_space<hbm>> -> memref<1x80x128xf32, #tpu.memory_space<hbm>>
        %dma_wait3A_127 = tpu.memref_squeeze %dma_wait3A_126 : memref<1x80x128xf32, #tpu.memory_space<hbm>> -> memref<80x128xf32, #tpu.memory_space<hbm>>
        %dma_wait3A_128 = arith.constant 0 : i32
        %dma_wait3A_129 = tpu.memref_slice %arg6[%multiple_of3A_119, %dma_wait3A_128] : memref<10000x128xf32, #tpu.memory_space<vmem_shared>> -> memref<80x128xf32, #tpu.memory_space<vmem_shared>>
        tpu.wait_dma2 semaphore(%run_scoped3A : memref<!tpu.dma_semaphore, #tpu.memory_space<semaphore_mem>>) src(%dma_wait3A_129 : memref<80x128xf32, #tpu.memory_space<vmem_shared>>) dst(%dma_wait3A_127 : memref<80x128xf32, #tpu.memory_space<hbm>>)
        tpu.yield
      }) : () -> ()
    }
    return
  }
}

module attributes {stable_mosaic.version = 14 : i64} {
  func.func @_res_body(%arg0: i32, %arg1: memref<5000x128xf32, #tpu.memory_space<vmem>>, %arg2: memref<128x128xf32, #tpu.memory_space<vmem>>, %arg3: memref<1x128xf32, #tpu.memory_space<vmem>>, %arg4: memref<5000x128xf32, #tpu.memory_space<vmem>>) attributes {dimension_semantics = [#tpu.dimension_semantics<arbitrary>], iteration_bounds = array<i64: 2>, scalar_prefetch = 0 : i64, scratch_operands = 0 : i64, tpu.core_type = #tpu.core_type<tc>, window_params = [{transform_indices = @transform_0, window_bounds = array<i64: 5000, 128>}, {pipeline_mode = #tpu.pipeline_mode<synchronous>, transform_indices = @transform_1, window_bounds = array<i64: 128, 128>}, {pipeline_mode = #tpu.pipeline_mode<synchronous>, transform_indices = @transform_2, window_bounds = array<i64: 1, 128>}, {transform_indices = @transform_3, window_bounds = array<i64: 5000, 128>}]} {
    %get3A = arith.constant 0 : index
    %get3A_0 = arith.constant 0 : index
    %get3A_1 = vector.load %arg1[%get3A, %get3A_0] : memref<5000x128xf32, #tpu.memory_space<vmem>>, vector<5000x128xf32>
    %get3A_2 = arith.constant 0 : index
    %get3A_3 = arith.constant 0 : index
    %get3A_4 = vector.load %arg2[%get3A_2, %get3A_3] : memref<128x128xf32, #tpu.memory_space<vmem>>, vector<128x128xf32>
    %dot_general3A = arith.constant dense<0.000000e+00> : vector<5000x128xf32>
    %dot_general3A_5 = tpu.matmul %get3A_1, %get3A_4, %dot_general3A {dimension_numbers = #tpu.dot_dimension_numbers<[1], [0], [0], [1], [0, 0, 1, 1], [], []>, transpose_lhs_hint = false} : vector<5000x128xf32>, vector<128x128xf32>, vector<5000x128xf32> -> vector<5000x128xf32>
    %get3A_6 = arith.constant 0 : index
    %get3A_7 = arith.constant 0 : index
    %get3A_8 = vector.load %arg3[%get3A_6, %get3A_7] : memref<1x128xf32, #tpu.memory_space<vmem>>, vector<1x128xf32>
    %add3A = vector.broadcast %get3A_8 : vector<1x128xf32> to vector<5000x128xf32>
    %add3A_9 = arith.addf %dot_general3A_5, %add3A : vector<5000x128xf32>
    %max3A = arith.constant 0.000000e+00 : f32
    %max3A_10 = vector.broadcast %max3A : f32 to vector<5000x128xf32>
    %max3A_11 = arith.maximumf %add3A_9, %max3A_10 : vector<5000x128xf32>
    %swap3A = arith.constant 0 : index
    %swap3A_12 = arith.constant 0 : index
    %swap3A_13 = vector.load %arg4[%swap3A, %swap3A_12] : memref<5000x128xf32, #tpu.memory_space<vmem>>, vector<5000x128xf32>
    tpu.vector_store %arg4[%swap3A, %swap3A_12], %max3A_11 {strides = array<i32>} : memref<5000x128xf32, #tpu.memory_space<vmem>>, vector<5000x128xf32>,
    return
  }
  func.func @transform_0(%arg0: i32) -> (i32, i32) {
    %c0_i32 = arith.constant 0 : i32
    %c0_i32_0 = arith.constant 0 : i32
    return %arg0, %c0_i32 : i32, i32
  }
  func.func @transform_1(%arg0: i32) -> (i32, i32) {
    %c0_i32 = arith.constant 0 : i32
    %c0_i32_0 = arith.constant 0 : i32
    %c0_i32_1 = arith.constant 0 : i32
    return %c0_i32, %c0_i32_0 : i32, i32
  }
  func.func @transform_2(%arg0: i32) -> (i32, i32) {
    %c0_i32 = arith.constant 0 : i32
    %c0_i32_0 = arith.constant 0 : i32
    %c0_i32_1 = arith.constant 0 : i32
    return %c0_i32, %c0_i32_0 : i32, i32
  }
  func.func @transform_3(%arg0: i32) -> (i32, i32) {
    %c0_i32 = arith.constant 0 : i32
    %c0_i32_0 = arith.constant 0 : i32
    return %arg0, %c0_i32 : i32, i32
  }
}

module attributes {stable_mosaic.version = 14 : i64} {
  func.func @_mm_body(%arg0: i32, %arg1: memref<5000x128xf32, #tpu.memory_space<vmem>>, %arg2: memref<128x128xf32, #tpu.memory_space<vmem>>, %arg3: memref<5000x128xf32, #tpu.memory_space<vmem>>) attributes {dimension_semantics = [#tpu.dimension_semantics<arbitrary>], iteration_bounds = array<i64: 2>, scalar_prefetch = 0 : i64, scratch_operands = 0 : i64, tpu.core_type = #tpu.core_type<tc>, window_params = [{transform_indices = @transform_0, window_bounds = array<i64: 5000, 128>}, {pipeline_mode = #tpu.pipeline_mode<synchronous>, transform_indices = @transform_1, window_bounds = array<i64: 128, 128>}, {transform_indices = @transform_2, window_bounds = array<i64: 5000, 128>}]} {
    %get3A = arith.constant 0 : index
    %get3A_0 = arith.constant 0 : index
    %get3A_1 = vector.load %arg1[%get3A, %get3A_0] : memref<5000x128xf32, #tpu.memory_space<vmem>>, vector<5000x128xf32>
    %get3A_2 = arith.constant 0 : index
    %get3A_3 = arith.constant 0 : index
    %get3A_4 = vector.load %arg2[%get3A_2, %get3A_3] : memref<128x128xf32, #tpu.memory_space<vmem>>, vector<128x128xf32>
    %dot_general3A = arith.constant dense<0.000000e+00> : vector<5000x128xf32>
    %dot_general3A_5 = tpu.matmul %get3A_1, %get3A_4, %dot_general3A {dimension_numbers = #tpu.dot_dimension_numbers<[1], [0], [0], [1], [0, 0, 1, 1], [], []>, transpose_lhs_hint = false} : vector<5000x128xf32>, vector<128x128xf32>, vector<5000x128xf32> -> vector<5000x128xf32>
    %swap3A = arith.constant 0 : index
    %swap3A_6 = arith.constant 0 : index
    %swap3A_7 = vector.load %arg3[%swap3A, %swap3A_6] : memref<5000x128xf32, #tpu.memory_space<vmem>>, vector<5000x128xf32>
    tpu.vector_store %arg3[%swap3A, %swap3A_6], %dot_general3A_5 {strides = array<i32>} : memref<5000x128xf32, #tpu.memory_space<vmem>>, vector<5000x128xf32>,
    return
  }
  func.func @transform_0(%arg0: i32) -> (i32, i32) {
    %c0_i32 = arith.constant 0 : i32
    %c0_i32_0 = arith.constant 0 : i32
    return %arg0, %c0_i32 : i32, i32
  }
  func.func @transform_1(%arg0: i32) -> (i32, i32) {
    %c0_i32 = arith.constant 0 : i32
    %c0_i32_0 = arith.constant 0 : i32
    %c0_i32_1 = arith.constant 0 : i32
    return %c0_i32, %c0_i32_0 : i32, i32
  }
  func.func @transform_2(%arg0: i32) -> (i32, i32) {
    %c0_i32 = arith.constant 0 : i32
    %c0_i32_0 = arith.constant 0 : i32
    return %arg0, %c0_i32 : i32, i32
  }
}

module attributes {stable_mosaic.version = 14 : i64} {
  func.func @_combmm_body(%arg0: i32, %arg1: memref<2x5000x128xf32, #tpu.memory_space<vmem>>, %arg2: memref<1x128xf32, #tpu.memory_space<vmem>>, %arg3: memref<5000x128xf32, #tpu.memory_space<vmem>>, %arg4: memref<128x128xf32, #tpu.memory_space<vmem>>, %arg5: memref<5000x128xf32, #tpu.memory_space<vmem>>, %arg6: memref<5000x128xf32, #tpu.memory_space<vmem>>) attributes {dimension_semantics = [#tpu.dimension_semantics<arbitrary>], iteration_bounds = array<i64: 2>, scalar_prefetch = 0 : i64, scratch_operands = 0 : i64, tpu.core_type = #tpu.core_type<tc>, window_params = [{transform_indices = @transform_0, window_bounds = array<i64: 2, 5000, 128>}, {pipeline_mode = #tpu.pipeline_mode<synchronous>, transform_indices = @transform_1, window_bounds = array<i64: 1, 128>}, {transform_indices = @transform_2, window_bounds = array<i64: 5000, 128>}, {pipeline_mode = #tpu.pipeline_mode<synchronous>, transform_indices = @transform_3, window_bounds = array<i64: 128, 128>}, {transform_indices = @transform_4, window_bounds = array<i64: 5000, 128>}, {transform_indices = @transform_5, window_bounds = array<i64: 5000, 128>}]} {
    %get3A = arith.constant 0 : index
    %get3A_0 = arith.constant 0 : index
    %get3A_1 = arith.constant 0 : index
    %get3A_2 = vector.load %arg1[%get3A, %get3A_0, %get3A_1] : memref<2x5000x128xf32, #tpu.memory_space<vmem>>, vector<1x5000x128xf32>
    %get3A_3 = vector.shape_cast %get3A_2 : vector<1x5000x128xf32> to vector<5000x128xf32>
    %get3A_4 = arith.constant 1 : index
    %get3A_5 = arith.constant 0 : index
    %get3A_6 = arith.constant 0 : index
    %get3A_7 = vector.load %arg1[%get3A_4, %get3A_5, %get3A_6] : memref<2x5000x128xf32, #tpu.memory_space<vmem>>, vector<1x5000x128xf32>
    %get3A_8 = vector.shape_cast %get3A_7 : vector<1x5000x128xf32> to vector<5000x128xf32>
    %add3A = arith.addf %get3A_3, %get3A_8 : vector<5000x128xf32>
    %get3A_9 = arith.constant 0 : index
    %get3A_10 = arith.constant 0 : index
    %get3A_11 = vector.load %arg2[%get3A_9, %get3A_10] : memref<1x128xf32, #tpu.memory_space<vmem>>, vector<1x128xf32>
    %add3A_12 = vector.broadcast %get3A_11 : vector<1x128xf32> to vector<5000x128xf32>
    %add3A_13 = arith.addf %add3A, %add3A_12 : vector<5000x128xf32>
    %max3A = arith.constant 0.000000e+00 : f32
    %max3A_14 = vector.broadcast %max3A : f32 to vector<5000x128xf32>
    %max3A_15 = arith.maximumf %add3A_13, %max3A_14 : vector<5000x128xf32>
    %get3A_16 = arith.constant 0 : index
    %get3A_17 = arith.constant 0 : index
    %get3A_18 = vector.load %arg3[%get3A_16, %get3A_17] : memref<5000x128xf32, #tpu.memory_space<vmem>>, vector<5000x128xf32>
    %add3A_19 = arith.addf %max3A_15, %get3A_18 : vector<5000x128xf32>
    %swap3A = arith.constant 0 : index
    %swap3A_20 = arith.constant 0 : index
    %swap3A_21 = vector.load %arg5[%swap3A, %swap3A_20] : memref<5000x128xf32, #tpu.memory_space<vmem>>, vector<5000x128xf32>
    tpu.vector_store %arg5[%swap3A, %swap3A_20], %add3A_19 {strides = array<i32>} : memref<5000x128xf32, #tpu.memory_space<vmem>>, vector<5000x128xf32>,
    %get3A_22 = arith.constant 0 : index
    %get3A_23 = arith.constant 0 : index
    %get3A_24 = vector.load %arg4[%get3A_22, %get3A_23] : memref<128x128xf32, #tpu.memory_space<vmem>>, vector<128x128xf32>
    %dot_general3A = arith.constant dense<0.000000e+00> : vector<5000x128xf32>
    %dot_general3A_25 = tpu.matmul %add3A_19, %get3A_24, %dot_general3A {dimension_numbers = #tpu.dot_dimension_numbers<[1], [0], [0], [1], [0, 0, 1, 1], [], []>, transpose_lhs_hint = false} : vector<5000x128xf32>, vector<128x128xf32>, vector<5000x128xf32> -> vector<5000x128xf32>
    %swap3A_26 = arith.constant 0 : index
    %swap3A_27 = arith.constant 0 : index
    %swap3A_28 = vector.load %arg6[%swap3A_26, %swap3A_27] : memref<5000x128xf32, #tpu.memory_space<vmem>>, vector<5000x128xf32>
    tpu.vector_store %arg6[%swap3A_26, %swap3A_27], %dot_general3A_25 {strides = array<i32>} : memref<5000x128xf32, #tpu.memory_space<vmem>>, vector<5000x128xf32>,
    return
  }
  func.func @transform_0(%arg0: i32) -> (i32, i32, i32) {
    %c0_i32 = arith.constant 0 : i32
    %c0_i32_0 = arith.constant 0 : i32
    %c0_i32_1 = arith.constant 0 : i32
    return %c0_i32, %arg0, %c0_i32_0 : i32, i32, i32
  }
  func.func @transform_1(%arg0: i32) -> (i32, i32) {
    %c0_i32 = arith.constant 0 : i32
    %c0_i32_0 = arith.constant 0 : i32
    %c0_i32_1 = arith.constant 0 : i32
    return %c0_i32, %c0_i32_0 : i32, i32
  }
  func.func @transform_2(%arg0: i32) -> (i32, i32) {
    %c0_i32 = arith.constant 0 : i32
    %c0_i32_0 = arith.constant 0 : i32
    return %arg0, %c0_i32 : i32, i32
  }
  func.func @transform_3(%arg0: i32) -> (i32, i32) {
    %c0_i32 = arith.constant 0 : i32
    %c0_i32_0 = arith.constant 0 : i32
    %c0_i32_1 = arith.constant 0 : i32
    return %c0_i32, %c0_i32_0 : i32, i32
  }
  func.func @transform_4(%arg0: i32) -> (i32, i32) {
    %c0_i32 = arith.constant 0 : i32
    %c0_i32_0 = arith.constant 0 : i32
    return %arg0, %c0_i32 : i32, i32
  }
  func.func @transform_5(%arg0: i32) -> (i32, i32) {
    %c0_i32 = arith.constant 0 : i32
    %c0_i32_0 = arith.constant 0 : i32
    return %arg0, %c0_i32 : i32, i32
  }
}

module attributes {stable_mosaic.version = 14 : i64} {
  func.func @_comb_body(%arg0: i32, %arg1: memref<2x5000x128xf32, #tpu.memory_space<vmem>>, %arg2: memref<1x128xf32, #tpu.memory_space<vmem>>, %arg3: memref<5000x128xf32, #tpu.memory_space<vmem>>, %arg4: memref<5000x128xf32, #tpu.memory_space<vmem>>) attributes {dimension_semantics = [#tpu.dimension_semantics<arbitrary>], iteration_bounds = array<i64: 2>, scalar_prefetch = 0 : i64, scratch_operands = 0 : i64, tpu.core_type = #tpu.core_type<tc>, window_params = [{transform_indices = @transform_0, window_bounds = array<i64: 2, 5000, 128>}, {pipeline_mode = #tpu.pipeline_mode<synchronous>, transform_indices = @transform_1, window_bounds = array<i64: 1, 128>}, {transform_indices = @transform_2, window_bounds = array<i64: 5000, 128>}, {transform_indices = @transform_3, window_bounds = array<i64: 5000, 128>}]} {
    %get3A = arith.constant 0 : index
    %get3A_0 = arith.constant 0 : index
    %get3A_1 = arith.constant 0 : index
    %get3A_2 = vector.load %arg1[%get3A, %get3A_0, %get3A_1] : memref<2x5000x128xf32, #tpu.memory_space<vmem>>, vector<1x5000x128xf32>
    %get3A_3 = vector.shape_cast %get3A_2 : vector<1x5000x128xf32> to vector<5000x128xf32>
    %get3A_4 = arith.constant 1 : index
    %get3A_5 = arith.constant 0 : index
    %get3A_6 = arith.constant 0 : index
    %get3A_7 = vector.load %arg1[%get3A_4, %get3A_5, %get3A_6] : memref<2x5000x128xf32, #tpu.memory_space<vmem>>, vector<1x5000x128xf32>
    %get3A_8 = vector.shape_cast %get3A_7 : vector<1x5000x128xf32> to vector<5000x128xf32>
    %add3A = arith.addf %get3A_3, %get3A_8 : vector<5000x128xf32>
    %get3A_9 = arith.constant 0 : index
    %get3A_10 = arith.constant 0 : index
    %get3A_11 = vector.load %arg2[%get3A_9, %get3A_10] : memref<1x128xf32, #tpu.memory_space<vmem>>, vector<1x128xf32>
    %add3A_12 = vector.broadcast %get3A_11 : vector<1x128xf32> to vector<5000x128xf32>
    %add3A_13 = arith.addf %add3A, %add3A_12 : vector<5000x128xf32>
    %max3A = arith.constant 0.000000e+00 : f32
    %max3A_14 = vector.broadcast %max3A : f32 to vector<5000x128xf32>
    %max3A_15 = arith.maximumf %add3A_13, %max3A_14 : vector<5000x128xf32>
    %get3A_16 = arith.constant 0 : index
    %get3A_17 = arith.constant 0 : index
    %get3A_18 = vector.load %arg3[%get3A_16, %get3A_17] : memref<5000x128xf32, #tpu.memory_space<vmem>>, vector<5000x128xf32>
    %add3A_19 = arith.addf %max3A_15, %get3A_18 : vector<5000x128xf32>
    %swap3A = arith.constant 0 : index
    %swap3A_20 = arith.constant 0 : index
    %swap3A_21 = vector.load %arg4[%swap3A, %swap3A_20] : memref<5000x128xf32, #tpu.memory_space<vmem>>, vector<5000x128xf32>
    tpu.vector_store %arg4[%swap3A, %swap3A_20], %add3A_19 {strides = array<i32>} : memref<5000x128xf32, #tpu.memory_space<vmem>>, vector<5000x128xf32>,
    return
  }
  func.func @transform_0(%arg0: i32) -> (i32, i32, i32) {
    %c0_i32 = arith.constant 0 : i32
    %c0_i32_0 = arith.constant 0 : i32
    %c0_i32_1 = arith.constant 0 : i32
    return %c0_i32, %arg0, %c0_i32_0 : i32, i32, i32
  }
  func.func @transform_1(%arg0: i32) -> (i32, i32) {
    %c0_i32 = arith.constant 0 : i32
    %c0_i32_0 = arith.constant 0 : i32
    %c0_i32_1 = arith.constant 0 : i32
    return %c0_i32, %c0_i32_0 : i32, i32
  }
  func.func @transform_2(%arg0: i32) -> (i32, i32) {
    %c0_i32 = arith.constant 0 : i32
    %c0_i32_0 = arith.constant 0 : i32
    return %arg0, %c0_i32 : i32, i32
  }
  func.func @transform_3(%arg0: i32) -> (i32, i32) {
    %c0_i32 = arith.constant 0 : i32
    %c0_i32_0 = arith.constant 0 : i32
    return %arg0, %c0_i32 : i32, i32
  }
}

</mosaic_0001>

<sc_bundles>
// kernel: kernel.12.cloned.1.call-start
scs
__scs_entry_jumppad:
0x0: {  	(pc) =	sbr.rel $0x88, $3  }
0x1: {  	(tag) =	ssettag $0x0;
	lr =	simm.s32 $0x1  }
0x2: {  	[smem:$0x3F97] =	sst lr;
	_ =	strace $0xD0000000  }
0x3: {  	_ = 	snop  }
0x4: {  	_ = 	snop  }
0x5: {  	_ = 	snop  }
0x6: {  	_ = 	snop  }
0x7: {  	_ = 	snop  }
__scs_overlays_trampoline_lowered:
0x8: {  	[smem:$0x3FA6] =	sst s0  }
0x9: {  	[smem:$0x3FA7] =	sst s1  }
0xa: {  	[smem:$0x3FA8] =	sst s2  }
0xb: {  	[smem:$0x3FA9] =	sst s3  }
0xc: {  	[smem:$0x3FAA] =	sst s4  }
0xd: {  	[smem:$0x3FAB] =	sst s5  }
0xe: {  	[smem:$0x3FAC] =	sst s6  }
0xf: {  	[smem:$0x3FAD] =	sst s7  }
0x10: {  	[smem:$0x3FAE] =	sst s8  }
0x11: {  	[smem:$0x3FAF] =	sst s9;
	s0 =	simm.s32 @!p0 $0x0  }
0x12: {  	s1 =	sld [smem:$0x3F95];
	s0 =	simm.s32 @p0 $0x1  }
0x13: {  	[smem:$0x3FB0] =	sst s0;
	s0 =	simm.s32 @!p1 $0x0  }
0x14: {  	s2 =	sld [smem:$0x3F94];
	s0 =	simm.s32 @p1 $0x1  }
0x15: {  	[smem:$0x3FB1] =	sst s0;
	s0 =	simm.s32 @!p2 $0x0  }
0x16: {  	s3 =	sld [smem:$0x3FDB];
	s0 =	simm.s32 @p2 $0x1  }
0x17: {  	s4 =	simm.s32 $0x1BF5;
	[smem:$0x3FB3] =	sst s0  }
0x18: {  	s0 =	sld [smem:$0x3F96];
	_ =	swait.ge [sflag:s4], $0x0  }
0x19: {  	s7 =	sld [smem:$0x3F97]  }
0x1a: {  	s8 =	sadd.s32 $0xFFFFE003, lr  }
0x1b: {  	s9 =	sadd.s32 $0xFFFFFEF7, lr;
	s5 =	simm.s32 $0xFFFFFFFF;
	p2 =	slt.u32 s8, $0xFFFFF086  }
0x1c: {  	p1 =	slt.u32 s9, $0xF7A;
	s5 =	simm.s32 @!p2 $0x0  }
0x1d: {  	s5 =	simm.s32 @p1 $0x1;
	p0 =	seq.s32 s7, s2  }
0x1e: {  	s7 =	smul.u32 @!p0 $0xF7A, s2;
	p2 =	seq.s32 @!p0 s5, $0x0  }
0x1f: {  	s9 =	smul.u32 $0xF7A, s1;
	s8 =	simm.s32 @!p0 $0x1BF5;
	p2 =	por !p2, p0  }
0x20: {  	[sflag:s8] =	ssyncset.s32 @!p0 $0xFFFFF086;
	s6 =	sadd.s32 @!p0 s3, s7;
	s7 =	simm.s32 @!p0 $0x108  }
0x21: {  	s3 =	sadd.s32 s3, s9;
	s6 =	sadd.s32 @!p0 $0x88, s6;
	s7 =	simm.s32 @p2 $0x1082  }
0x22: {  	[simem:s7], [sflag:s8] =	dma.local @!p0 [hbm:s6], $0xF7A  }
0x23: {  	s9 =	sor.u32 $0xD0000000, s2;
	s6 =	simm.s32 $0x108;
	_ =	swait.ge @!p0 [sflag:s8], $0x0  }
0x24: {  	s3 =	sadd.s32 $0x88, s3;
	s6 =	simm.s32 @!p1 $0x1082;
	[sflag:s4] =	ssyncset.s32 $0xFFFFF086  }
0x25: {  	[simem:s6], [sflag:s4] =	dma.local [hbm:s3], $0xF7A  }
0x26: {  	[smem:$0x3F97] =	sst s1;
	(tag) =	ssettag s2;
	_ =	strace s9  }
0x27: {  	s1 =	sld [smem:$0x3FA7]  }
0x28: {  	s2 =	sld [smem:$0x3FA8]  }
0x29: {  	s4 =	sld [smem:$0x3FAA]  }
0x2a: {  	p0 =	seq.s32 s5, $0x0;
	s5 =	sld [smem:$0x3FAB]  }
0x2b: {  	s6 =	sld [smem:$0x3FAC]  }
0x2c: {  	s7 =	sld [smem:$0x3FAD]  }
0x2d: {  	s3 =	simm.s32 $0x108;
	s8 =	sld [smem:$0x3FAE]  }
0x2e: {  	s3 =	simm.s32 @!p0 $0x1082;
	s9 =	sld [smem:$0x3FAF]  }
0x2f: {  	lr =	sadd.s32 s0, s3;
	s0 =	sld [smem:$0x3FA6]  }
0x30: {  	s3 =	sld [smem:$0x3FA9]  }
0x31: {  	[smem:$0x3FB2] =	sst s10  }
0x32: {  	s10 =	sld [smem:$0x3FB0];
	_ =	sdelay $0x3  }
0x33: {  	p0 =	seq.s32 s10, $0x1;
	s10 =	sld [smem:$0x3FB2];
	_ =	sdelay $0x3  }
0x34: {  	[smem:$0x3FB2] =	sst s10  }
0x35: {  	s10 =	sld [smem:$0x3FB1];
	_ =	sdelay $0x3  }
0x36: {  	p1 =	seq.s32 s10, $0x1;
	s10 =	sld [smem:$0x3FB2];
	_ =	sdelay $0x3  }
0x37: {  	[smem:$0x3FB2] =	sst s10  }
0x38: {  	s10 =	sld [smem:$0x3FB3]  }
0x39: {  	_ = 	snop;
	(pc) =	sbr.ind lr, $3  }
0x3a: {  	_ = 	snop  }
0x3b: {  	_ = 	snop  }
0x3c: {  	p2 =	seq.s32 s10, $0x1;
	s10 =	sld [smem:$0x3FB2]  }
0x3d: {  	_ =	shalt  }
0x3e: {  	_ =	shalt  }
0x3f: {  	_ =	shalt  }
0x40: {  	_ =	shalt  }
0x41: {  	_ =	shalt  }
0x42: {  	_ =	shalt  }
0x43: {  	_ =	shalt  }
0x44: {  	_ =	shalt  }
0x45: {  	_ =	shalt  }
0x46: {  	_ =	shalt  }
0x47: {  	_ =	shalt  }
0x48: {  	_ =	shalt  }
0x49: {  	_ =	shalt  }
0x4a: {  	_ =	shalt  }
0x4b: {  	_ =	shalt  }
0x4c: {  	_ =	shalt  }
0x4d: {  	_ =	shalt  }
0x4e: {  	_ =	shalt  }
0x4f: {  	_ =	shalt  }
0x50: {  	_ =	shalt  }
0x51: {  	_ =	shalt  }
0x52: {  	_ =	shalt  }
0x53: {  	_ =	shalt  }
0x54: {  	_ =	shalt  }
0x55: {  	_ =	shalt  }
0x56: {  	_ =	shalt  }
0x57: {  	_ =	shalt  }
0x58: {  	_ =	shalt  }
0x59: {  	_ =	shalt  }
0x5a: {  	_ =	shalt  }
0x5b: {  	_ =	shalt  }
0x5c: {  	_ =	shalt  }
0x5d: {  	_ =	shalt  }
0x5e: {  	_ =	shalt  }
0x5f: {  	_ =	shalt  }
0x60: {  	_ =	shalt  }
0x61: {  	_ =	shalt  }
0x62: {  	_ =	shalt  }
0x63: {  	_ =	shalt  }
0x64: {  	_ =	shalt  }
0x65: {  	_ =	shalt  }
0x66: {  	_ =	shalt  }
0x67: {  	_ =	shalt  }
0x68: {  	_ =	shalt  }
0x69: {  	_ =	shalt  }
0x6a: {  	_ =	shalt  }
0x6b: {  	_ =	shalt  }
0x6c: {  	_ =	shalt  }
0x6d: {  	_ =	shalt  }
0x6e: {  	_ =	shalt  }
0x6f: {  	_ =	shalt  }
0x70: {  	_ =	shalt  }
0x71: {  	_ =	shalt  }
0x72: {  	_ =	shalt  }
0x73: {  	_ =	shalt  }
0x74: {  	_ =	shalt  }
0x75: {  	_ =	shalt  }
0x76: {  	_ =	shalt  }
0x77: {  	_ =	shalt  }
0x78: {  	_ =	shalt  }
0x79: {  	_ =	shalt  }
0x7a: {  	_ =	shalt  }
0x7b: {  	_ =	shalt  }
0x7c: {  	_ =	shalt  }
0x7d: {  	_ =	shalt  }
0x7e: {  	_ =	shalt  }
0x7f: {  	_ =	shalt  }
0x80: {  	_ =	shalt  }
0x81: {  	_ =	shalt  }
0x82: {  	_ =	shalt  }
0x83: {  	_ =	shalt  }
0x84: {  	_ =	shalt  }
0x85: {  	_ =	shalt  }
0x86: {  	_ =	shalt  }
0x87: {  	_ =	shalt  }
.Lfunc_end0:
.L_simem_size_0:
called_computation.1_lowered:
.L_overlay_start_0:
0x88: {  	s2 =	sld [smem:$0x3FD9]  }
0x89: {  	s3 =	sld [smem:$0x3FFE];
	_ =	sdelay $0x1  }
0x8a: {  	s1 =	srdreg.scid  }
0x8b: {  	s0 =	sand.u32 $0x1, s1  }
0x8c: {  	s17 =	sshll.u32 s0, $0xA;
	s2 =	sadd.s32 s3, s2  }
0x8d: {  	s2 =	sadd.s32 s2, s17  }
0x8e: {  	[smem:$0x3FBE] =	sst s2  }
0x8f: {  	_ = 	snop  }
0x90: {  	s2 =	sld [smem:$0x3FD0];
	(tm) =	ssettm $0x1  }
0x91: {  	s18 =	sld [smem:$0x3FFB];
	_ =	sdelay $0x3  }
0x92: {  	_ =	strace s18  }
0x93: {  	s3 =	sld [smem:$0x3FFC];
	_ =	sdelay $0x3  }
0x94: {  	_ =	strace s3  }
0x95: {  	s3 =	sld [smem:$0x3FFD];
	_ =	sdelay $0x3  }
0x96: {  	_ =	strace s3  }
0x97: {  	_ =	strace $0x8FFFFFFF  }
0x98: {  	s19 =	sld [smem:$0x3FDB];
	_ =	sdelay $0x1  }
0x99: {  	s4 =	simm.s32 $_scs_section_size  }
0x9a: {  	s5 =	simm.s32 $_size__tile_overlayer_lowered;
	s6 =	simm.s32 $_tile_overlayer_lowered  }
0x9b: {  	s22 =	simm.s32 $0x1BFF;
	s21 =	sshll.u32 s6, $0x1;
	s3 =	sadd.s32 s4, s19  }
0x9c: {  	s7 =	simm.s32 $0x0;
	s20 =	sshll.u32 s5, $0x1;
	s5 =	sadd.s32 s21, s3  }
0x9d: {  	[timem:s7], [sflag:s22] =	dma.local [hbm:s5], s20  }
0x9e: {  	_ =	swait.ge [sflag:s22], s20  }
0x9f: {  	s4 =	ssub.s32 $0x0, s20;
	[sflag:s22] =	ssyncset.done $0x0  }
0xa0: {  	[sflag:s22] =	ssyncadd.s32 s4;
	_ =	sdelay $0x1  }
0xa1: {  	s23 =	simm.s32 $0x1B8B  }
0xa2: {  	_ =	swait.ge [sflag:s23], $0x1  }
0xa3: {  	[sflag:s23] =	ssyncset.done $0x0  }
0xa4: {  	s25 =	simm.s32 $0x1B8E;
	s24 =	sld [smem:$0x3FFE];
	[sflag:s23] =	ssyncadd.s32 $0xFFFFFFFF  }
0xa5: {  	s26 =	simm.s32 $execute0_lowered;
	[smem:$0x3FD2] =	sst s25  }
0xa6: {  	s5 =	sshll.u32 s26, $0x1;
	_ =	strace $0x80000049;
	[dreg:$0x1] =	wrdreg $0xFFFFFFFF  }
0xa7: {  	s28 =	simm.s32 $_size_execute0_lowered;
	s3 =	sadd.s32 s3, s5;
	[dreg:$0x0] =	wrdreg $0x0  }
0xa8: {  	s5 =	sshll.u32 s28, $0x1;
	[dreg:$0x2] =	wrdreg s3  }
0xa9: {  	[dreg:$0x3] =	wrdreg s5  }
0xaa: {  	[dreg:$0x4] =	wrdreg $0xC0  }
0xab: {  	_ =	task [dreg:s7], $0x5FFFF  }
0xac: {  	[dreg:$0x1] =	wrdreg $0xFFFFFFFF  }
0xad: {  	[dreg:$0x0] =	wrdreg $0x60  }
0xae: {  	[dreg:$0x2] =	wrdreg s2  }
0xaf: {  	[dreg:$0x3] =	wrdreg s24  }
0xb0: {  	[dreg:$0x4] =	wrdreg $0x0  }
0xb1: {  	[dreg:$0x5] =	wrdreg $0x9  }
0xb2: {  	_ =	task.clear_ibuf [dreg:s7], $0x6FFFF;
	_ =	strace $0x90000049  }
0xb3: {  	s29 =	simm.s32 $0x9;
	_ =	strace $0x8000004B  }
0xb4: {  	_ =	swait.ge [sflag:s29], $0x1  }
0xb5: {  	[sflag:s29] =	ssyncadd.s32 $0xFFFFFFFF  }
0xb6: {  	_ =	strace $0x9000004B  }
0xb7: {  	_ =	sfence  }
0xb8: {  	s30 =	sld [smem:$0x0];
	_ =	sdelay $0x2  }
0xb9: {  	s31 =	sshll.u32 s1, $0xD;
	s1 =	sshrl.u32 s1, $0x2  }
0xba: {  	s3 =	sand.u32 $0x4000, s31;
	s1 =	sadd.s32 s1, s30  }
0xbb: {  	s0 =	sor.u32 s3, s0;
	s1 =	sshll.u32 s1, $0x11  }
0xbc: {  	s0 =	sor.u32 s1, s0  }
0xbd: {  	s0 =	sadd.s32 $0x8F2B, s0  }
0xbe: {  	[sflag:s0] =	ssyncadd.remote.s32 $0x1  }
0xbf: {  	_ =	sfence.sel $0xFFFF  }
0xc0: {  	[dreg:$0x0] =	wrdreg $0xFFFFFFFF;
	(pc) =	sbr.abs _section_cstart, $3  }
0xc1: {  	[dreg:$0x1] =	wrdreg $0xFFFFFFFF  }
0xc2: {  	_ =	task.clear_ibuf [dreg:s7], $0x2FFFF;
	_ =	strace $0x9FFFFFFF  }
0xc3: {  	(tm) =	ssettm $0x7FFFFFFF  }
tec
execute0_lowered:
.L_overlay_start_1:
0x0: {  	(tag) =	ssettag $0x1  }
0x1: {  	s0 =	srdreg.scid  }
0x2: {  	s1 =	rddreg [dreg:$0x0];
	s13 =	stileid.u32  }
0x3: {  	s2 =	rddreg [dreg:$0x1];
	s6 =	smul.u32 $0x280, s13  }
0x4: {  	s3 =	rddreg [dreg:$0x2];
	s9 =	smul.u32 $0x14000, s13  }
0x5: {  	s28 =	simm.s32 $0x1;
	s29 =	simm.s32 $0x5;
	s21 =	smul.u32 $0x2710, s13  }
0x6: {  	s30 =	simm.s32 $0x4;
	s0 =	sand.u32 $0x1, s0;
	s23 =	smul.u32 $0x50000, s13  }
0x7: {  	s31 =	simm.s32 $0x2;
	s4 =	sshll.u32 s0, $0x4;
	s7 =	smul.u32 $0x138800, s0  }
0x8: {  	s18 =	ssub.s32 $0x2, s0;
	s0 =	smul.u32 $0x27100, s0;
	s5 =	sor.u32 s13, s4  }
0x9: {  	s4 =	simm.s32 $0x0;
	s6 =	ssub.s32 $0x2710, s6;
	s12 =	sshrl.u32 s18, $0x1  }
0xa: {  	s25 =	sshrl.u32 s23, $0x2;
	s23 =	simm.s32 $0x10;
	s5 =	smul.u32 $0x2710, s5  }
0xb: {  	[smem:$0x7FF] =	sst s4;
	s6 =	smin.u32 s6, $0x280;
	s7 =	sadd.s32 s9, s7  }
0xc: {  	s12 =	ssub.s32 s18, s12;
	s0 =	sadd.s32 s21, s0;
	s17 =	sadd.s32 s25, s3  }
0xd: {  	s18 =	simm.s32 $0x7;
	s21 =	simm.s32 $0x16180;
	s25 =	simm.s32 $0x1E180  }
0xe: {  	_ =	strace $0x8000004A;
	s11 =	smul.u32 $0x667, s6;
	s7 =	sshrl.u32 s7, $0x3  }
0xf: {  	s6 =	smul.u32 $0x334, s6;
	s24 =	smax.u32 s12, $0x1;
	s14 =	sadd.s32 $0x100, s0  }
0x10: {  	s8 =	sshrl.u32 s5, $0x3;
	s5 =	sadd.s32 $0x1A00, s2;
	[dreg:$0x8] =	wrdreg s24  }
0x11: {  	s24 =	simm.s32 $0x1A180;
	s10 =	sadd.s32 s8, s2;
	s2 =	sadd.s32 s7, s2  }
0x12: {  	s20 =	sadd.s32 s5, s8;
	s9 =	sshrl.u32 s11, $0x10;
	s11 =	sshrl.u32 s6, $0x10  }
0x13: {  	s8 =	sadd.s32 $0x180, s0;
	s0 =	simm.s32 $0x16100;
	s6 =	simm.s32 $0x0  }
0x14: {  	s19 =	sadd.s32 $0xB800, s10;
	s22 =	sadd.s32 $0x10, s20;
	[dreg:$0x5] =	wrdreg s20  }
0x15: {  	s7 =	sadd.s32 $0x4E0, s20;
	s26 =	sshrl.u32 s8, $0x3;
	[dreg:$0x4] =	wrdreg s19  }
0x16: {  	s16 =	sadd.s32 $0x15600, s2;
	s20 =	simm.s32 $0x80;
	[dreg:$0x6] =	wrdreg s22  }
0x17: {  	s2 =	simm.s32 $0x6;
	[dreg:$0x7] =	wrdreg s7;
	s15 =	sadd.s32 s26, s5  }
0x18: {  	v0 =	vimm.f32 $0.0e+00;
	s19 =	simm.s32 $0x16000;
	s22 =	simm.s32 $0x16080;
	s26 =	simm.s32 $0x3  }
.LBB2_1:
0x19: {  	s7 =	rddreg [dreg:$0x4];
	s8 =	simm.s32 $0x13880  }
0x1a: {  	[tilespmem:s8], [sflag:$0x7] =	stream.linear.gather [hbm4b:s7+s4], $0x2710, $0x38;
	[tilespmem:$0x1F580] =	vst v63  }
0x1b: {  	_ =	swait.ge [sflag:s18], $0x2710  }
0x1c: {  	[sflag:s18] =	ssyncset.done $0x0  }
0x1d: {  	s10 =	rddreg [dreg:$0x5];
	[sflag:s18] =	ssyncadd.s32 $0xFFFFD8F0  }
0x1e: {  	[tilespmem:s19], [sflag:$0x3] =	stream.linear.gather [hbm4b:s10+s4], $0x80, $0x38;
	[tilespmem:$0x1F580] =	vst v63  }
0x1f: {  	_ = 	snop  }
0x20: {  	[tilespmem:s21], [sflag:$0x1] =	stream.indirect.gather [hbm4b:s1+s20], $0x80, s8, s20, $0xb8;
	[tilespmem:$0x1F580] =	vst v63  }
0x21: {  	s12 =	rddreg [dreg:$0x6]  }
0x22: {  	[tilespmem:s22], [sflag:$0x4] =	stream.linear.gather [hbm4b:s12+s4], $0x80, $0x38;
	[tilespmem:$0x1F580] =	vst v63  }
0x23: {  	s13 =	simm.s32 $0x13900;
	s10 =	simm.s32 $0x200;
	s8 =	simm.s32 $0x0  }
0x24: {  	[tilespmem:s24], [sflag:$0x2] =	stream.indirect.gather [hbm4b:s1+s20], $0x80, s13, s20, $0xb8;
	[tilespmem:$0x1F580] =	vst v63  }
.LBB2_2:
0x25: {  	p0 =	sne.s32 s10, $0x4E00;
	[tilespmem:s8+$0x1E1F0] =	vst v0  }
0x26: {  	[tilespmem:s8+$0x1E180] =	vst v0  }
0x27: {  	[tilespmem:s8+$0x1E190] =	vst v0  }
.Ltmp0:
0x28: {  	[tilespmem:s8+$0x1E1A0] =	vst v0;
	(pc) =	sbr.rel @p0 .LBB2_2-.Ltmp0, $4  }
0x29: {  	[tilespmem:s8+$0x1E1B0] =	vst v0  }
0x2a: {  	[tilespmem:s8+$0x1E1C0] =	vst v0  }
0x2b: {  	[tilespmem:s8+$0x1E1D0] =	vst v0  }
0x2c: {  	[tilespmem:s8+$0x1E1E0] =	vst v0;
	s8 =	sshra.s32 s10, $0x2;
	s10 =	sadd.s32 $0x200, s10  }
0x2d: {  	[tilespmem:s8+$0x1E1F0] =	vst v0  }
0x2e: {  	[tilespmem:s8+$0x1E180] =	vst v0  }
0x2f: {  	[tilespmem:s8+$0x1E190] =	vst v0  }
0x30: {  	[tilespmem:s8+$0x1E1A0] =	vst v0  }
0x31: {  	[tilespmem:s8+$0x1E1B0] =	vst v0  }
0x32: {  	[tilespmem:s8+$0x1E1C0] =	vst v0;
	p0 =	sne.s32 s9, $0x1  }
.Ltmp1:
0x33: {  	[tilespmem:s8+$0x1E1D0] =	vst v0;
	(pc) =	sbr.rel @!p0 .LBB2_5-.Ltmp1, $4  }
0x34: {  	[tilespmem:s8+$0x1E1E0] =	vst v0  }
0x35: {  	[spmem:s17] =	stream.linear.scatter [tilespmem:s25], [sflag:$0x7], $0x1400, $0x38;
	[tilespmem:$0x1F580] =	vst v63  }
0x36: {  	_ =	swait.ge [sflag:s18], $0x1400  }
0x37: {  	s8 =	sadd.s32 $0xFFFFFFFF, s9;
	s10 =	smov.u32 s17;
	[sflag:s18] =	ssyncset.done $0x0  }
.LBB2_4:
0x38: {  	p0 =	sne.s32 s8, $0x1;
	[sflag:s18] =	ssyncadd.s32 $0xFFFFEC00;
	s10 =	sadd.s32 $0x1400, s10  }
.Ltmp2:
0x39: {  	s8 =	sadd.s32 $0xFFFFFFFF, s8;
	(pc) =	sbr.rel @p0 .LBB2_4-.Ltmp2, $4  }
0x3a: {  	_ = 	snop  }
0x3b: {  	[spmem:s10] =	stream.linear.scatter [tilespmem:s25], [sflag:$0x7], $0x1400, $0x38;
	[tilespmem:$0x1F580] =	vst v63  }
0x3c: {  	_ =	swait.ge [sflag:s18], $0x1400  }
0x3d: {  	[sflag:s18] =	ssyncset.done $0x0  }
.LBB2_5:
0x3e: {  	[sflag:s18] =	ssyncadd.s32 $0xFFFFEC00  }
0x3f: {  	[bflag:$0x0] =	sbarrier.arrive $0xFFFF  }
0x40: {  	_ =	swait.ge [sflag:s26], $0x80  }
0x41: {  	[sflag:s26] =	ssyncset.done $0x0  }
0x42: {  	[sflag:s26] =	ssyncadd.s32 $0xFFFFFF80  }
0x43: {  	_ =	swait.ge [sflag:s28], $0x4000  }
0x44: {  	[sflag:s28] =	ssyncset.done $0x0  }
0x45: {  	[sflag:s28] =	ssyncadd.s32 $0xFFFFC000  }
0x46: {  	[spmem:s3] =	stream.indirect.scatter.add.f32 [tilespmem:s21], [sflag:$0x5], $0x80, s19, s20, $0xb8;
	[tilespmem:$0x1F580] =	vst v63  }
0x47: {  	_ =	swait.ge [sflag:s29], $0x4000  }
0x48: {  	s8 =	sshrl.u32 s14, $0x3;
	[sflag:s29] =	ssyncset.done $0x0  }
0x49: {  	s8 =	sadd.s32 s5, s8;
	[sflag:s29] =	ssyncadd.s32 $0xFFFFC000  }
0x4a: {  	[tilespmem:s19], [sflag:$0x3] =	stream.linear.gather [hbm4b:s8+s4], $0x80, $0x38;
	[tilespmem:$0x1F580] =	vst v63  }
0x4b: {  	s12 =	simm.s32 $0x13980  }
0x4c: {  	[tilespmem:s21], [sflag:$0x1] =	stream.indirect.gather [hbm4b:s1+s20], $0x80, s12, s20, $0xb8;
	[tilespmem:$0x1F580] =	vst v63  }
0x4d: {  	_ =	swait.ge [sflag:s30], $0x80  }
0x4e: {  	[sflag:s30] =	ssyncset.done $0x0  }
0x4f: {  	[sflag:s30] =	ssyncadd.s32 $0xFFFFFF80  }
0x50: {  	_ =	swait.ge [sflag:s31], $0x4000  }
0x51: {  	[sflag:s31] =	ssyncset.done $0x0  }
0x52: {  	[sflag:s31] =	ssyncadd.s32 $0xFFFFC000  }
0x53: {  	[spmem:s3] =	stream.indirect.scatter.add.f32 [tilespmem:s24], [sflag:$0x6], $0x80, s22, s20, $0xb8;
	[tilespmem:$0x1F580] =	vst v63  }
0x54: {  	_ =	swait.ge [sflag:s2], $0x4000  }
0x55: {  	[sflag:s2] =	ssyncset.done $0x0  }
0x56: {  	s13 =	sadd.s32 $0x0, s15;
	s10 =	sadd.s32 $0x100, s14;
	[sflag:s2] =	ssyncadd.s32 $0xFFFFC000  }
0x57: {  	[tilespmem:s22], [sflag:$0x4] =	stream.linear.gather [hbm4b:s13+s4], $0x80, $0x38;
	[tilespmem:$0x1F580] =	vst v63  }
0x58: {  	s8 =	simm.s32 $0x20;
	s12 =	simm.s32 $0x13A80;
	s13 =	simm.s32 $0x13A00  }
.LBB2_6:
0x59: {  	[tilespmem:s24], [sflag:$0x2] =	stream.indirect.gather [hbm4b:s1+s20], $0x80, s13, s20, $0xb8;
	[tilespmem:$0x1F580] =	vst v63  }
0x5a: {  	s13 =	smov.u32 s8  }
0x5b: {  	p0 =	sne.s32 s8, $0x4A0;
	s8 =	sadd.s32 $0x20, s8;
	_ =	swait.ge [sflag:s26], $0x80  }
0x5c: {  	[sflag:s26] =	ssyncset.done $0x0  }
0x5d: {  	[sflag:s26] =	ssyncadd.s32 $0xFFFFFF80  }
0x5e: {  	_ =	swait.ge [sflag:s28], $0x4000  }
0x5f: {  	[sflag:s28] =	ssyncset.done $0x0  }
0x60: {  	[sflag:s28] =	ssyncadd.s32 $0xFFFFC000  }
0x61: {  	[spmem:s3] =	stream.indirect.scatter.add.f32 [tilespmem:s21], [sflag:$0x5], $0x80, s19, s20, $0xb8;
	[tilespmem:$0x1F580] =	vst v63  }
0x62: {  	_ =	swait.ge [sflag:s29], $0x4000  }
0x63: {  	s7 =	sshrl.u32 s10, $0x3;
	[sflag:s29] =	ssyncset.done $0x0  }
0x64: {  	s7 =	sadd.s32 s5, s7;
	[sflag:s29] =	ssyncadd.s32 $0xFFFFC000  }
0x65: {  	[tilespmem:s19], [sflag:$0x3] =	stream.linear.gather [hbm4b:s7+s4], $0x80, $0x38;
	[tilespmem:$0x1F580] =	vst v63  }
0x66: {  	_ = 	snop  }
0x67: {  	[tilespmem:s21], [sflag:$0x1] =	stream.indirect.gather [hbm4b:s1+s20], $0x80, s12, s20, $0xb8;
	[tilespmem:$0x1F580] =	vst v63  }
0x68: {  	_ =	swait.ge [sflag:s30], $0x80  }
0x69: {  	[sflag:s30] =	ssyncset.done $0x0  }
0x6a: {  	[sflag:s30] =	ssyncadd.s32 $0xFFFFFF80  }
0x6b: {  	_ =	swait.ge [sflag:s31], $0x4000  }
0x6c: {  	[sflag:s31] =	ssyncset.done $0x0  }
0x6d: {  	[sflag:s31] =	ssyncadd.s32 $0xFFFFC000  }
0x6e: {  	[spmem:s3] =	stream.indirect.scatter.add.f32 [tilespmem:s24], [sflag:$0x6], $0x80, s22, s20, $0xb8;
	[tilespmem:$0x1F580] =	vst v63  }
.Ltmp3:
0x6f: {  	_ =	swait.ge [sflag:s2], $0x4000;
	(pc) =	sbr.rel @p0 .LBB2_6-.Ltmp3, $4  }
0x70: {  	[sflag:s2] =	ssyncset.done $0x0  }
0x71: {  	s7 =	sadd.s32 s13, s15;
	[sflag:s2] =	ssyncadd.s32 $0xFFFFC000  }
0x72: {  	[tilespmem:s22], [sflag:$0x4] =	stream.linear.gather [hbm4b:s7+s4], $0x80, $0x38;
	[tilespmem:$0x1F580] =	vst v63  }
0x73: {  	s10 =	sadd.s32 $0x100, s10;
	s13 =	sadd.s32 $0x80, s12;
	s12 =	sadd.s32 $0x100, s12  }
0x74: {  	[tilespmem:s24], [sflag:$0x2] =	stream.indirect.gather [hbm4b:s1+s20], $0x80, s13, s20, $0xb8;
	[tilespmem:$0x1F580] =	vst v63  }
0x75: {  	_ =	swait.ge [sflag:s26], $0x80  }
0x76: {  	[sflag:s26] =	ssyncset.done $0x0  }
0x77: {  	[sflag:s26] =	ssyncadd.s32 $0xFFFFFF80  }
0x78: {  	_ =	swait.ge [sflag:s28], $0x4000  }
0x79: {  	[sflag:s28] =	ssyncset.done $0x0  }
0x7a: {  	[sflag:s28] =	ssyncadd.s32 $0xFFFFC000  }
0x7b: {  	[spmem:s3] =	stream.indirect.scatter.add.f32 [tilespmem:s21], [sflag:$0x5], $0x80, s19, s20, $0xb8;
	[tilespmem:$0x1F580] =	vst v63  }
0x7c: {  	_ =	swait.ge [sflag:s30], $0x80  }
0x7d: {  	[sflag:s30] =	ssyncset.done $0x0  }
0x7e: {  	[sflag:s30] =	ssyncadd.s32 $0xFFFFFF80  }
0x7f: {  	_ =	swait.ge [sflag:s31], $0x4000  }
0x80: {  	[sflag:s31] =	ssyncset.done $0x0  }
0x81: {  	[sflag:s31] =	ssyncadd.s32 $0xFFFFC000  }
0x82: {  	[spmem:s3] =	stream.indirect.scatter.add.f32 [tilespmem:s24], [sflag:$0x6], $0x80, s22, s20, $0xb8;
	[tilespmem:$0x1F580] =	vst v63  }
0x83: {  	_ =	swait.ge [sflag:s29], $0x4000  }
0x84: {  	[sflag:s29] =	ssyncset.done $0x0  }
0x85: {  	[sflag:s29] =	ssyncadd.s32 $0xFFFFC000  }
0x86: {  	_ =	swait.ge [sflag:s2], $0x4000  }
0x87: {  	[sflag:s2] =	ssyncset.done $0x0  }
0x88: {  	s7 =	rddreg [dreg:$0x7];
	[sflag:s2] =	ssyncadd.s32 $0xFFFFC000  }
0x89: {  	[tilespmem:s0], [sflag:$0x7] =	stream.linear.gather [hbm4b:s7+s4], $0x10, $0x38;
	[tilespmem:$0x1F580] =	vst v63  }
0x8a: {  	_ =	swait.ge [sflag:s18], $0x10  }
0x8b: {  	[sflag:s18] =	ssyncset.done $0x0  }
0x8c: {  	s10 =	simm.s32 $0x15F80;
	[sflag:s18] =	ssyncadd.s32 $0xFFFFFFF0  }
0x8d: {  	[tilespmem:s21], [sflag:$0x7] =	stream.indirect.gather [hbm4b:s1+s23], $0x80, s10, s23, $0xb8;
	[tilespmem:$0x1F580] =	vst v63  }
0x8e: {  	_ =	swait.ge [sflag:s18], $0x800  }
0x8f: {  	[sflag:s18] =	ssyncset.done $0x0  }
0x90: {  	[sflag:s18] =	ssyncadd.s32 $0xFFFFF800  }
0x91: {  	[spmem:s3] =	stream.indirect.scatter.add.f32 [tilespmem:s21], [sflag:$0x7], $0x80, s0, s23, $0xb8;
	[tilespmem:$0x1F580] =	vst v63  }
0x92: {  	p0 =	sne.s32 s11, $0x1;
	_ =	swait.ge [sflag:s18], $0x800  }
.Ltmp4:
0x93: {  	s12 =	stileid.u32;
	[sflag:s18] =	ssyncset.done $0x0;
	(pc) =	sbr.rel @!p0 .LBB2_9-.Ltmp4, $4  }
0x94: {  	s13 =	sshrl.u32 s17, $0x3;
	s7 =	sshll.u32 s12, $0x6;
	[sflag:s18] =	ssyncadd.s32 $0xFFFFF800  }
0x95: {  	s12 =	sadd.s32 $0x500, s16;
	s8 =	sor.u32 $0x1C07, s7;
	[bflag:$0x0] =	sbarrier.arrive $0xFFFF  }
0x96: {  	[hbm:s16], [sflag:s8] =	dma.local [spmem:s13], $0x500  }
0x97: {  	s10 =	sadd.s32 $0xFFFFFFFF, s11;
	s13 =	smov.u32 s17;
	_ =	swait.ge [sflag:s18], $0x500  }
.LBB2_8:
0x98: {  	[sflag:s18] =	ssyncset.done $0x0;
	s13 =	sadd.s32 $0x2800, s13;
	p0 =	sne.s32 s10, $0x1  }
.Ltmp5:
0x99: {  	s7 =	sshrl.u32 s13, $0x3;
	[sflag:s18] =	ssyncadd.s32 $0xFFFFFB00;
	(pc) =	sbr.rel @p0 .LBB2_8-.Ltmp5, $3  }
0x9a: {  	[hbm:s12], [sflag:s8] =	dma.local [spmem:s7], $0x500  }
0x9b: {  	s10 =	sadd.s32 $0xFFFFFFFF, s10;
	_ =	sdelay $0x1  }
0x9c: {  	s12 =	sadd.s32 $0x500, s12;
	_ =	swait.ge [sflag:s18], $0x500  }
.LBB2_9:
0x9d: {  	s6 =	sadd.s32 $0x1, s6;
	s7 =	rddreg [dreg:$0x8]  }
0x9e: {  	p0 =	sne.s32 s6, s7  }
.Ltmp6:
0x9f: {  	_ = 	snop;
	(pc) =	sbr.rel @p0 .LBB2_1-.Ltmp6, $3  }
0xa0: {  	_ =	sdelay $0x1  }
0xa1: {  	[sflag:s18] =	ssyncset.done $0x0  }
0xa2: {  	[sflag:s18] =	ssyncadd.s32 $0xFFFFFB00  }
0xa3: {  	_ =	sfence.sel $0x180000  }
0xa4: {  	[bflag:$0x0] =	sbarrier.arrive $0xFFFF  }
0xa5: {  	_ =	strace $0x9000004A  }
0xa6: {  	s0 =	stileid.u32;
	[bflag:$0x2] =	sbarrier.arrive $0xFFFF  }
0xa7: {  	p0 =	sne.s32 s0, $0x0;
	s0 =	rddreg [dreg:$0x3]  }
0xa8: {  	s0 =	sadd.s32 @!p0 $0x100000, s0  }
0xa9: {  	[sflag:s0] =	ssyncadd.tile.s32 @!p0 $0x1;
	_ =	shalt  }
.Lfunc_end2:
_tile_overlayer_lowered:
.L_overlay_start_2:
0xaa: {  	(tag) =	ssettag $0x2  }
0xab: {  	s0 =	rddreg [dreg:$0x0];
	s2 =	stileid.u32  }
0xac: {  	s1 =	rddreg [dreg:$0x1];
	p0 =	sne.s32 s2, $0x0  }
0xad: {  	s3 =	rddreg [dreg:$0x2];
	[bflag:$0x3] =	sbarrier.arrive $0xFFFF;
	s2 =	simm.s32 @!p0 $0x1C07  }
0xae: {  	[timem:s3], [sflag:s2] =	dma.local @!p0 [hbm:s0], s1  }
0xaf: {  	s0 =	simm.s32 @!p0 $0x7  }
0xb0: {  	_ =	swait.ge @!p0 [sflag:s0], s1  }
0xb1: {  	s1 =	ssub.s32 @!p0 $0x0, s1;
	[sflag:s0] =	ssyncset.done @!p0 $0x0  }
0xb2: {  	[sflag:s0] =	ssyncadd.s32 @!p0 s1  }
0xb3: {  	[bflag:$0x3] =	sbarrier.arrive $0xFFFF  }
0xb4: {  	_ =	shalt  }

// kernel: kernel.9.cloned.1.call-start
scs
__scs_entry_jumppad:
0x0: {  	(pc) =	sbr.rel $0x88, $3  }
0x1: {  	(tag) =	ssettag $0x0;
	lr =	simm.s32 $0x1  }
0x2: {  	[smem:$0x3F97] =	sst lr;
	_ =	strace $0xD0000000  }
0x3: {  	_ = 	snop  }
0x4: {  	_ = 	snop  }
0x5: {  	_ = 	snop  }
0x6: {  	_ = 	snop  }
0x7: {  	_ = 	snop  }
__scs_overlays_trampoline_lowered:
0x8: {  	[smem:$0x3FA6] =	sst s0  }
0x9: {  	[smem:$0x3FA7] =	sst s1  }
0xa: {  	[smem:$0x3FA8] =	sst s2  }
0xb: {  	[smem:$0x3FA9] =	sst s3  }
0xc: {  	[smem:$0x3FAA] =	sst s4  }
0xd: {  	[smem:$0x3FAB] =	sst s5  }
0xe: {  	[smem:$0x3FAC] =	sst s6  }
0xf: {  	[smem:$0x3FAD] =	sst s7  }
0x10: {  	[smem:$0x3FAE] =	sst s8  }
0x11: {  	[smem:$0x3FAF] =	sst s9;
	s0 =	simm.s32 @!p0 $0x0  }
0x12: {  	s1 =	sld [smem:$0x3F95];
	s0 =	simm.s32 @p0 $0x1  }
0x13: {  	[smem:$0x3FB0] =	sst s0;
	s0 =	simm.s32 @!p1 $0x0  }
0x14: {  	s2 =	sld [smem:$0x3F94];
	s0 =	simm.s32 @p1 $0x1  }
0x15: {  	[smem:$0x3FB1] =	sst s0;
	s0 =	simm.s32 @!p2 $0x0  }
0x16: {  	s3 =	sld [smem:$0x3FDB];
	s0 =	simm.s32 @p2 $0x1  }
0x17: {  	s4 =	simm.s32 $0x1BF5;
	[smem:$0x3FB3] =	sst s0  }
0x18: {  	s0 =	sld [smem:$0x3F96];
	_ =	swait.ge [sflag:s4], $0x0  }
0x19: {  	s7 =	sld [smem:$0x3F97]  }
0x1a: {  	s8 =	sadd.s32 $0xFFFFE003, lr  }
0x1b: {  	s9 =	sadd.s32 $0xFFFFFEF7, lr;
	s5 =	simm.s32 $0xFFFFFFFF;
	p2 =	slt.u32 s8, $0xFFFFF086  }
0x1c: {  	p1 =	slt.u32 s9, $0xF7A;
	s5 =	simm.s32 @!p2 $0x0  }
0x1d: {  	s5 =	simm.s32 @p1 $0x1;
	p0 =	seq.s32 s7, s2  }
0x1e: {  	s7 =	smul.u32 @!p0 $0xF7A, s2;
	p2 =	seq.s32 @!p0 s5, $0x0  }
0x1f: {  	s9 =	smul.u32 $0xF7A, s1;
	s8 =	simm.s32 @!p0 $0x1BF5;
	p2 =	por !p2, p0  }
0x20: {  	[sflag:s8] =	ssyncset.s32 @!p0 $0xFFFFF086;
	s6 =	sadd.s32 @!p0 s3, s7;
	s7 =	simm.s32 @!p0 $0x108  }
0x21: {  	s3 =	sadd.s32 s3, s9;
	s6 =	sadd.s32 @!p0 $0x88, s6;
	s7 =	simm.s32 @p2 $0x1082  }
0x22: {  	[simem:s7], [sflag:s8] =	dma.local @!p0 [hbm:s6], $0xF7A  }
0x23: {  	s9 =	sor.u32 $0xD0000000, s2;
	s6 =	simm.s32 $0x108;
	_ =	swait.ge @!p0 [sflag:s8], $0x0  }
0x24: {  	s3 =	sadd.s32 $0x88, s3;
	s6 =	simm.s32 @!p1 $0x1082;
	[sflag:s4] =	ssyncset.s32 $0xFFFFF086  }
0x25: {  	[simem:s6], [sflag:s4] =	dma.local [hbm:s3], $0xF7A  }
0x26: {  	[smem:$0x3F97] =	sst s1;
	(tag) =	ssettag s2;
	_ =	strace s9  }
0x27: {  	s1 =	sld [smem:$0x3FA7]  }
0x28: {  	s2 =	sld [smem:$0x3FA8]  }
0x29: {  	s4 =	sld [smem:$0x3FAA]  }
0x2a: {  	p0 =	seq.s32 s5, $0x0;
	s5 =	sld [smem:$0x3FAB]  }
0x2b: {  	s6 =	sld [smem:$0x3FAC]  }
0x2c: {  	s7 =	sld [smem:$0x3FAD]  }
0x2d: {  	s3 =	simm.s32 $0x108;
	s8 =	sld [smem:$0x3FAE]  }
0x2e: {  	s3 =	simm.s32 @!p0 $0x1082;
	s9 =	sld [smem:$0x3FAF]  }
0x2f: {  	lr =	sadd.s32 s0, s3;
	s0 =	sld [smem:$0x3FA6]  }
0x30: {  	s3 =	sld [smem:$0x3FA9]  }
0x31: {  	[smem:$0x3FB2] =	sst s10  }
0x32: {  	s10 =	sld [smem:$0x3FB0];
	_ =	sdelay $0x3  }
0x33: {  	p0 =	seq.s32 s10, $0x1;
	s10 =	sld [smem:$0x3FB2];
	_ =	sdelay $0x3  }
0x34: {  	[smem:$0x3FB2] =	sst s10  }
0x35: {  	s10 =	sld [smem:$0x3FB1];
	_ =	sdelay $0x3  }
0x36: {  	p1 =	seq.s32 s10, $0x1;
	s10 =	sld [smem:$0x3FB2];
	_ =	sdelay $0x3  }
0x37: {  	[smem:$0x3FB2] =	sst s10  }
0x38: {  	s10 =	sld [smem:$0x3FB3]  }
0x39: {  	_ = 	snop;
	(pc) =	sbr.ind lr, $3  }
0x3a: {  	_ = 	snop  }
0x3b: {  	_ = 	snop  }
0x3c: {  	p2 =	seq.s32 s10, $0x1;
	s10 =	sld [smem:$0x3FB2]  }
0x3d: {  	_ =	shalt  }
0x3e: {  	_ =	shalt  }
0x3f: {  	_ =	shalt  }
0x40: {  	_ =	shalt  }
0x41: {  	_ =	shalt  }
0x42: {  	_ =	shalt  }
0x43: {  	_ =	shalt  }
0x44: {  	_ =	shalt  }
0x45: {  	_ =	shalt  }
0x46: {  	_ =	shalt  }
0x47: {  	_ =	shalt  }
0x48: {  	_ =	shalt  }
0x49: {  	_ =	shalt  }
0x4a: {  	_ =	shalt  }
0x4b: {  	_ =	shalt  }
0x4c: {  	_ =	shalt  }
0x4d: {  	_ =	shalt  }
0x4e: {  	_ =	shalt  }
0x4f: {  	_ =	shalt  }
0x50: {  	_ =	shalt  }
0x51: {  	_ =	shalt  }
0x52: {  	_ =	shalt  }
0x53: {  	_ =	shalt  }
0x54: {  	_ =	shalt  }
0x55: {  	_ =	shalt  }
0x56: {  	_ =	shalt  }
0x57: {  	_ =	shalt  }
0x58: {  	_ =	shalt  }
0x59: {  	_ =	shalt  }
0x5a: {  	_ =	shalt  }
0x5b: {  	_ =	shalt  }
0x5c: {  	_ =	shalt  }
0x5d: {  	_ =	shalt  }
0x5e: {  	_ =	shalt  }
0x5f: {  	_ =	shalt  }
0x60: {  	_ =	shalt  }
0x61: {  	_ =	shalt  }
0x62: {  	_ =	shalt  }
0x63: {  	_ =	shalt  }
0x64: {  	_ =	shalt  }
0x65: {  	_ =	shalt  }
0x66: {  	_ =	shalt  }
0x67: {  	_ =	shalt  }
0x68: {  	_ =	shalt  }
0x69: {  	_ =	shalt  }
0x6a: {  	_ =	shalt  }
0x6b: {  	_ =	shalt  }
0x6c: {  	_ =	shalt  }
0x6d: {  	_ =	shalt  }
0x6e: {  	_ =	shalt  }
0x6f: {  	_ =	shalt  }
0x70: {  	_ =	shalt  }
0x71: {  	_ =	shalt  }
0x72: {  	_ =	shalt  }
0x73: {  	_ =	shalt  }
0x74: {  	_ =	shalt  }
0x75: {  	_ =	shalt  }
0x76: {  	_ =	shalt  }
0x77: {  	_ =	shalt  }
0x78: {  	_ =	shalt  }
0x79: {  	_ =	shalt  }
0x7a: {  	_ =	shalt  }
0x7b: {  	_ =	shalt  }
0x7c: {  	_ =	shalt  }
0x7d: {  	_ =	shalt  }
0x7e: {  	_ =	shalt  }
0x7f: {  	_ =	shalt  }
0x80: {  	_ =	shalt  }
0x81: {  	_ =	shalt  }
0x82: {  	_ =	shalt  }
0x83: {  	_ =	shalt  }
0x84: {  	_ =	shalt  }
0x85: {  	_ =	shalt  }
0x86: {  	_ =	shalt  }
0x87: {  	_ =	shalt  }
.Lfunc_end0:
.L_simem_size_0:
called_computation_lowered:
.L_overlay_start_0:
0x88: {  	s2 =	sld [smem:$0x3FD9]  }
0x89: {  	s3 =	sld [smem:$0x3FFE];
	_ =	sdelay $0x1  }
0x8a: {  	s1 =	srdreg.scid  }
0x8b: {  	s0 =	sand.u32 $0x1, s1  }
0x8c: {  	s17 =	sshll.u32 s0, $0xA;
	s2 =	sadd.s32 s3, s2  }
0x8d: {  	s2 =	sadd.s32 s2, s17  }
0x8e: {  	[smem:$0x3FBE] =	sst s2  }
0x8f: {  	_ = 	snop  }
0x90: {  	s2 =	sld [smem:$0x3FD0];
	(tm) =	ssettm $0x1  }
0x91: {  	s18 =	sld [smem:$0x3FFB];
	_ =	sdelay $0x3  }
0x92: {  	_ =	strace s18  }
0x93: {  	s3 =	sld [smem:$0x3FFC];
	_ =	sdelay $0x3  }
0x94: {  	_ =	strace s3  }
0x95: {  	s3 =	sld [smem:$0x3FFD];
	_ =	sdelay $0x3  }
0x96: {  	_ =	strace s3  }
0x97: {  	_ =	strace $0x8FFFFFFF  }
0x98: {  	s19 =	sld [smem:$0x3FDB];
	_ =	sdelay $0x1  }
0x99: {  	s4 =	simm.s32 $_scs_section_size  }
0x9a: {  	s5 =	simm.s32 $_size__tile_overlayer_lowered;
	s6 =	simm.s32 $_tile_overlayer_lowered  }
0x9b: {  	s22 =	simm.s32 $0x1BFF;
	s21 =	sshll.u32 s6, $0x1;
	s3 =	sadd.s32 s4, s19  }
0x9c: {  	s7 =	simm.s32 $0x0;
	s20 =	sshll.u32 s5, $0x1;
	s5 =	sadd.s32 s21, s3  }
0x9d: {  	[timem:s7], [sflag:s22] =	dma.local [hbm:s5], s20  }
0x9e: {  	_ =	swait.ge [sflag:s22], s20  }
0x9f: {  	s4 =	ssub.s32 $0x0, s20;
	[sflag:s22] =	ssyncset.done $0x0  }
0xa0: {  	[sflag:s22] =	ssyncadd.s32 s4;
	_ =	sdelay $0x1  }
0xa1: {  	s23 =	simm.s32 $0x1B8B  }
0xa2: {  	_ =	swait.ge [sflag:s23], $0x1  }
0xa3: {  	[sflag:s23] =	ssyncset.done $0x0  }
0xa4: {  	s25 =	simm.s32 $0x1B8E;
	s24 =	sld [smem:$0x3FFE];
	[sflag:s23] =	ssyncadd.s32 $0xFFFFFFFF  }
0xa5: {  	s26 =	simm.s32 $execute0_lowered;
	[smem:$0x3FD2] =	sst s25  }
0xa6: {  	s5 =	sshll.u32 s26, $0x1;
	_ =	strace $0x80000046;
	[dreg:$0x1] =	wrdreg $0xFFFFFFFF  }
0xa7: {  	s28 =	simm.s32 $_size_execute0_lowered;
	s3 =	sadd.s32 s3, s5;
	[dreg:$0x0] =	wrdreg $0x0  }
0xa8: {  	s5 =	sshll.u32 s28, $0x1;
	[dreg:$0x2] =	wrdreg s3  }
0xa9: {  	[dreg:$0x3] =	wrdreg s5  }
0xaa: {  	[dreg:$0x4] =	wrdreg $0xC0  }
0xab: {  	_ =	task [dreg:s7], $0x5FFFF  }
0xac: {  	[dreg:$0x1] =	wrdreg $0xFFFFFFFF  }
0xad: {  	[dreg:$0x0] =	wrdreg $0x60  }
0xae: {  	[dreg:$0x2] =	wrdreg s2  }
0xaf: {  	[dreg:$0x3] =	wrdreg s24  }
0xb0: {  	[dreg:$0x4] =	wrdreg $0x0  }
0xb1: {  	[dreg:$0x5] =	wrdreg $0x9  }
0xb2: {  	_ =	task.clear_ibuf [dreg:s7], $0x6FFFF;
	_ =	strace $0x90000046  }
0xb3: {  	s29 =	simm.s32 $0x9;
	_ =	strace $0x80000048  }
0xb4: {  	_ =	swait.ge [sflag:s29], $0x1  }
0xb5: {  	[sflag:s29] =	ssyncadd.s32 $0xFFFFFFFF  }
0xb6: {  	_ =	strace $0x90000048  }
0xb7: {  	_ =	sfence  }
0xb8: {  	s30 =	sld [smem:$0x0];
	_ =	sdelay $0x2  }
0xb9: {  	s31 =	sshll.u32 s1, $0xD;
	s1 =	sshrl.u32 s1, $0x2  }
0xba: {  	s3 =	sand.u32 $0x4000, s31;
	s1 =	sadd.s32 s1, s30  }
0xbb: {  	s0 =	sor.u32 s3, s0;
	s1 =	sshll.u32 s1, $0x11  }
0xbc: {  	s0 =	sor.u32 s1, s0  }
0xbd: {  	s0 =	sadd.s32 $0x8F2B, s0  }
0xbe: {  	[sflag:s0] =	ssyncadd.remote.s32 $0x1  }
0xbf: {  	_ =	sfence.sel $0xFFFF  }
0xc0: {  	[dreg:$0x0] =	wrdreg $0xFFFFFFFF;
	(pc) =	sbr.abs _section_cstart, $3  }
0xc1: {  	[dreg:$0x1] =	wrdreg $0xFFFFFFFF  }
0xc2: {  	_ =	task.clear_ibuf [dreg:s7], $0x2FFFF;
	_ =	strace $0x9FFFFFFF  }
0xc3: {  	(tm) =	ssettm $0x7FFFFFFF  }
tec
execute0_lowered:
.L_overlay_start_1:
0x0: {  	(tag) =	ssettag $0x1  }
0x1: {  	s0 =	srdreg.scid  }
0x2: {  	s1 =	rddreg [dreg:$0x0];
	s13 =	stileid.u32  }
0x3: {  	s2 =	rddreg [dreg:$0x1];
	s6 =	smul.u32 $0x280, s13  }
0x4: {  	s3 =	rddreg [dreg:$0x2];
	s9 =	smul.u32 $0x14000, s13  }
0x5: {  	s28 =	simm.s32 $0x1;
	s29 =	simm.s32 $0x5;
	s21 =	smul.u32 $0x2710, s13  }
0x6: {  	s30 =	simm.s32 $0x4;
	s0 =	sand.u32 $0x1, s0;
	s23 =	smul.u32 $0x50000, s13  }
0x7: {  	s31 =	simm.s32 $0x2;
	s4 =	sshll.u32 s0, $0x4;
	s7 =	smul.u32 $0x138800, s0  }
0x8: {  	s18 =	ssub.s32 $0x2, s0;
	s0 =	smul.u32 $0x27100, s0;
	s5 =	sor.u32 s13, s4  }
0x9: {  	s4 =	simm.s32 $0x0;
	s6 =	ssub.s32 $0x2710, s6;
	s12 =	sshrl.u32 s18, $0x1  }
0xa: {  	s25 =	sshrl.u32 s23, $0x2;
	s23 =	simm.s32 $0x10;
	s5 =	smul.u32 $0x2710, s5  }
0xb: {  	[smem:$0x7FF] =	sst s4;
	s6 =	smin.u32 s6, $0x280;
	s7 =	sadd.s32 s9, s7  }
0xc: {  	s12 =	ssub.s32 s18, s12;
	s0 =	sadd.s32 s21, s0;
	s17 =	sadd.s32 s25, s3  }
0xd: {  	s18 =	simm.s32 $0x7;
	s21 =	simm.s32 $0x16180;
	s25 =	simm.s32 $0x1E180  }
0xe: {  	_ =	strace $0x80000047;
	s11 =	smul.u32 $0x667, s6;
	s7 =	sshrl.u32 s7, $0x3  }
0xf: {  	s6 =	smul.u32 $0x334, s6;
	s24 =	smax.u32 s12, $0x1;
	s14 =	sadd.s32 $0x100, s0  }
0x10: {  	s8 =	sshrl.u32 s5, $0x3;
	s5 =	sadd.s32 $0x1A00, s2;
	[dreg:$0x8] =	wrdreg s24  }
0x11: {  	s24 =	simm.s32 $0x1A180;
	s10 =	sadd.s32 s8, s2;
	s2 =	sadd.s32 s7, s2  }
0x12: {  	s20 =	sadd.s32 s5, s8;
	s9 =	sshrl.u32 s11, $0x10;
	s11 =	sshrl.u32 s6, $0x10  }
0x13: {  	s8 =	sadd.s32 $0x180, s0;
	s0 =	simm.s32 $0x16100;
	s6 =	simm.s32 $0x0  }
0x14: {  	s19 =	sadd.s32 $0xB800, s10;
	s22 =	sadd.s32 $0x10, s20;
	[dreg:$0x5] =	wrdreg s20  }
0x15: {  	s7 =	sadd.s32 $0x4E0, s20;
	s26 =	sshrl.u32 s8, $0x3;
	[dreg:$0x4] =	wrdreg s19  }
0x16: {  	s16 =	sadd.s32 $0x15600, s2;
	s20 =	simm.s32 $0x80;
	[dreg:$0x6] =	wrdreg s22  }
0x17: {  	s2 =	simm.s32 $0x6;
	[dreg:$0x7] =	wrdreg s7;
	s15 =	sadd.s32 s26, s5  }
0x18: {  	v0 =	vimm.f32 $0.0e+00;
	s19 =	simm.s32 $0x16000;
	s22 =	simm.s32 $0x16080;
	s26 =	simm.s32 $0x3  }
.LBB2_1:
0x19: {  	s7 =	rddreg [dreg:$0x4];
	s8 =	simm.s32 $0x13880  }
0x1a: {  	[tilespmem:s8], [sflag:$0x7] =	stream.linear.gather [hbm4b:s7+s4], $0x2710, $0x38;
	[tilespmem:$0x1F580] =	vst v63  }
0x1b: {  	_ =	swait.ge [sflag:s18], $0x2710  }
0x1c: {  	[sflag:s18] =	ssyncset.done $0x0  }
0x1d: {  	s10 =	rddreg [dreg:$0x5];
	[sflag:s18] =	ssyncadd.s32 $0xFFFFD8F0  }
0x1e: {  	[tilespmem:s19], [sflag:$0x3] =	stream.linear.gather [hbm4b:s10+s4], $0x80, $0x38;
	[tilespmem:$0x1F580] =	vst v63  }
0x1f: {  	_ = 	snop  }
0x20: {  	[tilespmem:s21], [sflag:$0x1] =	stream.indirect.gather [hbm4b:s1+s20], $0x80, s8, s20, $0xb8;
	[tilespmem:$0x1F580] =	vst v63  }
0x21: {  	s12 =	rddreg [dreg:$0x6]  }
0x22: {  	[tilespmem:s22], [sflag:$0x4] =	stream.linear.gather [hbm4b:s12+s4], $0x80, $0x38;
	[tilespmem:$0x1F580] =	vst v63  }
0x23: {  	s13 =	simm.s32 $0x13900;
	s10 =	simm.s32 $0x200;
	s8 =	simm.s32 $0x0  }
0x24: {  	[tilespmem:s24], [sflag:$0x2] =	stream.indirect.gather [hbm4b:s1+s20], $0x80, s13, s20, $0xb8;
	[tilespmem:$0x1F580] =	vst v63  }
.LBB2_2:
0x25: {  	p0 =	sne.s32 s10, $0x4E00;
	[tilespmem:s8+$0x1E1F0] =	vst v0  }
0x26: {  	[tilespmem:s8+$0x1E180] =	vst v0  }
0x27: {  	[tilespmem:s8+$0x1E190] =	vst v0  }
.Ltmp0:
0x28: {  	[tilespmem:s8+$0x1E1A0] =	vst v0;
	(pc) =	sbr.rel @p0 .LBB2_2-.Ltmp0, $4  }
0x29: {  	[tilespmem:s8+$0x1E1B0] =	vst v0  }
0x2a: {  	[tilespmem:s8+$0x1E1C0] =	vst v0  }
0x2b: {  	[tilespmem:s8+$0x1E1D0] =	vst v0  }
0x2c: {  	[tilespmem:s8+$0x1E1E0] =	vst v0;
	s8 =	sshra.s32 s10, $0x2;
	s10 =	sadd.s32 $0x200, s10  }
0x2d: {  	[tilespmem:s8+$0x1E1F0] =	vst v0  }
0x2e: {  	[tilespmem:s8+$0x1E180] =	vst v0  }
0x2f: {  	[tilespmem:s8+$0x1E190] =	vst v0  }
0x30: {  	[tilespmem:s8+$0x1E1A0] =	vst v0  }
0x31: {  	[tilespmem:s8+$0x1E1B0] =	vst v0  }
0x32: {  	[tilespmem:s8+$0x1E1C0] =	vst v0;
	p0 =	sne.s32 s9, $0x1  }
.Ltmp1:
0x33: {  	[tilespmem:s8+$0x1E1D0] =	vst v0;
	(pc) =	sbr.rel @!p0 .LBB2_5-.Ltmp1, $4  }
0x34: {  	[tilespmem:s8+$0x1E1E0] =	vst v0  }
0x35: {  	[spmem:s17] =	stream.linear.scatter [tilespmem:s25], [sflag:$0x7], $0x1400, $0x38;
	[tilespmem:$0x1F580] =	vst v63  }
0x36: {  	_ =	swait.ge [sflag:s18], $0x1400  }
0x37: {  	s8 =	sadd.s32 $0xFFFFFFFF, s9;
	s10 =	smov.u32 s17;
	[sflag:s18] =	ssyncset.done $0x0  }
.LBB2_4:
0x38: {  	p0 =	sne.s32 s8, $0x1;
	[sflag:s18] =	ssyncadd.s32 $0xFFFFEC00;
	s10 =	sadd.s32 $0x1400, s10  }
.Ltmp2:
0x39: {  	s8 =	sadd.s32 $0xFFFFFFFF, s8;
	(pc) =	sbr.rel @p0 .LBB2_4-.Ltmp2, $4  }
0x3a: {  	_ = 	snop  }
0x3b: {  	[spmem:s10] =	stream.linear.scatter [tilespmem:s25], [sflag:$0x7], $0x1400, $0x38;
	[tilespmem:$0x1F580] =	vst v63  }
0x3c: {  	_ =	swait.ge [sflag:s18], $0x1400  }
0x3d: {  	[sflag:s18] =	ssyncset.done $0x0  }
.LBB2_5:
0x3e: {  	[sflag:s18] =	ssyncadd.s32 $0xFFFFEC00  }
0x3f: {  	[bflag:$0x0] =	sbarrier.arrive $0xFFFF  }
0x40: {  	_ =	swait.ge [sflag:s26], $0x80  }
0x41: {  	[sflag:s26] =	ssyncset.done $0x0  }
0x42: {  	[sflag:s26] =	ssyncadd.s32 $0xFFFFFF80  }
0x43: {  	_ =	swait.ge [sflag:s28], $0x4000  }
0x44: {  	[sflag:s28] =	ssyncset.done $0x0  }
0x45: {  	[sflag:s28] =	ssyncadd.s32 $0xFFFFC000  }
0x46: {  	[spmem:s3] =	stream.indirect.scatter.add.f32 [tilespmem:s21], [sflag:$0x5], $0x80, s19, s20, $0xb8;
	[tilespmem:$0x1F580] =	vst v63  }
0x47: {  	_ =	swait.ge [sflag:s29], $0x4000  }
0x48: {  	s8 =	sshrl.u32 s14, $0x3;
	[sflag:s29] =	ssyncset.done $0x0  }
0x49: {  	s8 =	sadd.s32 s5, s8;
	[sflag:s29] =	ssyncadd.s32 $0xFFFFC000  }
0x4a: {  	[tilespmem:s19], [sflag:$0x3] =	stream.linear.gather [hbm4b:s8+s4], $0x80, $0x38;
	[tilespmem:$0x1F580] =	vst v63  }
0x4b: {  	s12 =	simm.s32 $0x13980  }
0x4c: {  	[tilespmem:s21], [sflag:$0x1] =	stream.indirect.gather [hbm4b:s1+s20], $0x80, s12, s20, $0xb8;
	[tilespmem:$0x1F580] =	vst v63  }
0x4d: {  	_ =	swait.ge [sflag:s30], $0x80  }
0x4e: {  	[sflag:s30] =	ssyncset.done $0x0  }
0x4f: {  	[sflag:s30] =	ssyncadd.s32 $0xFFFFFF80  }
0x50: {  	_ =	swait.ge [sflag:s31], $0x4000  }
0x51: {  	[sflag:s31] =	ssyncset.done $0x0  }
0x52: {  	[sflag:s31] =	ssyncadd.s32 $0xFFFFC000  }
0x53: {  	[spmem:s3] =	stream.indirect.scatter.add.f32 [tilespmem:s24], [sflag:$0x6], $0x80, s22, s20, $0xb8;
	[tilespmem:$0x1F580] =	vst v63  }
0x54: {  	_ =	swait.ge [sflag:s2], $0x4000  }
0x55: {  	[sflag:s2] =	ssyncset.done $0x0  }
0x56: {  	s13 =	sadd.s32 $0x0, s15;
	s10 =	sadd.s32 $0x100, s14;
	[sflag:s2] =	ssyncadd.s32 $0xFFFFC000  }
0x57: {  	[tilespmem:s22], [sflag:$0x4] =	stream.linear.gather [hbm4b:s13+s4], $0x80, $0x38;
	[tilespmem:$0x1F580] =	vst v63  }
0x58: {  	s8 =	simm.s32 $0x20;
	s12 =	simm.s32 $0x13A80;
	s13 =	simm.s32 $0x13A00  }
.LBB2_6:
0x59: {  	[tilespmem:s24], [sflag:$0x2] =	stream.indirect.gather [hbm4b:s1+s20], $0x80, s13, s20, $0xb8;
	[tilespmem:$0x1F580] =	vst v63  }
0x5a: {  	s13 =	smov.u32 s8  }
0x5b: {  	p0 =	sne.s32 s8, $0x4A0;
	s8 =	sadd.s32 $0x20, s8;
	_ =	swait.ge [sflag:s26], $0x80  }
0x5c: {  	[sflag:s26] =	ssyncset.done $0x0  }
0x5d: {  	[sflag:s26] =	ssyncadd.s32 $0xFFFFFF80  }
0x5e: {  	_ =	swait.ge [sflag:s28], $0x4000  }
0x5f: {  	[sflag:s28] =	ssyncset.done $0x0  }
0x60: {  	[sflag:s28] =	ssyncadd.s32 $0xFFFFC000  }
0x61: {  	[spmem:s3] =	stream.indirect.scatter.add.f32 [tilespmem:s21], [sflag:$0x5], $0x80, s19, s20, $0xb8;
	[tilespmem:$0x1F580] =	vst v63  }
0x62: {  	_ =	swait.ge [sflag:s29], $0x4000  }
0x63: {  	s7 =	sshrl.u32 s10, $0x3;
	[sflag:s29] =	ssyncset.done $0x0  }
0x64: {  	s7 =	sadd.s32 s5, s7;
	[sflag:s29] =	ssyncadd.s32 $0xFFFFC000  }
0x65: {  	[tilespmem:s19], [sflag:$0x3] =	stream.linear.gather [hbm4b:s7+s4], $0x80, $0x38;
	[tilespmem:$0x1F580] =	vst v63  }
0x66: {  	_ = 	snop  }
0x67: {  	[tilespmem:s21], [sflag:$0x1] =	stream.indirect.gather [hbm4b:s1+s20], $0x80, s12, s20, $0xb8;
	[tilespmem:$0x1F580] =	vst v63  }
0x68: {  	_ =	swait.ge [sflag:s30], $0x80  }
0x69: {  	[sflag:s30] =	ssyncset.done $0x0  }
0x6a: {  	[sflag:s30] =	ssyncadd.s32 $0xFFFFFF80  }
0x6b: {  	_ =	swait.ge [sflag:s31], $0x4000  }
0x6c: {  	[sflag:s31] =	ssyncset.done $0x0  }
0x6d: {  	[sflag:s31] =	ssyncadd.s32 $0xFFFFC000  }
0x6e: {  	[spmem:s3] =	stream.indirect.scatter.add.f32 [tilespmem:s24], [sflag:$0x6], $0x80, s22, s20, $0xb8;
	[tilespmem:$0x1F580] =	vst v63  }
.Ltmp3:
0x6f: {  	_ =	swait.ge [sflag:s2], $0x4000;
	(pc) =	sbr.rel @p0 .LBB2_6-.Ltmp3, $4  }
0x70: {  	[sflag:s2] =	ssyncset.done $0x0  }
0x71: {  	s7 =	sadd.s32 s13, s15;
	[sflag:s2] =	ssyncadd.s32 $0xFFFFC000  }
0x72: {  	[tilespmem:s22], [sflag:$0x4] =	stream.linear.gather [hbm4b:s7+s4], $0x80, $0x38;
	[tilespmem:$0x1F580] =	vst v63  }
0x73: {  	s10 =	sadd.s32 $0x100, s10;
	s13 =	sadd.s32 $0x80, s12;
	s12 =	sadd.s32 $0x100, s12  }
0x74: {  	[tilespmem:s24], [sflag:$0x2] =	stream.indirect.gather [hbm4b:s1+s20], $0x80, s13, s20, $0xb8;
	[tilespmem:$0x1F580] =	vst v63  }
0x75: {  	_ =	swait.ge [sflag:s26], $0x80  }
0x76: {  	[sflag:s26] =	ssyncset.done $0x0  }
0x77: {  	[sflag:s26] =	ssyncadd.s32 $0xFFFFFF80  }
0x78: {  	_ =	swait.ge [sflag:s28], $0x4000  }
0x79: {  	[sflag:s28] =	ssyncset.done $0x0  }
0x7a: {  	[sflag:s28] =	ssyncadd.s32 $0xFFFFC000  }
0x7b: {  	[spmem:s3] =	stream.indirect.scatter.add.f32 [tilespmem:s21], [sflag:$0x5], $0x80, s19, s20, $0xb8;
	[tilespmem:$0x1F580] =	vst v63  }
0x7c: {  	_ =	swait.ge [sflag:s30], $0x80  }
0x7d: {  	[sflag:s30] =	ssyncset.done $0x0  }
0x7e: {  	[sflag:s30] =	ssyncadd.s32 $0xFFFFFF80  }
0x7f: {  	_ =	swait.ge [sflag:s31], $0x4000  }
0x80: {  	[sflag:s31] =	ssyncset.done $0x0  }
0x81: {  	[sflag:s31] =	ssyncadd.s32 $0xFFFFC000  }
0x82: {  	[spmem:s3] =	stream.indirect.scatter.add.f32 [tilespmem:s24], [sflag:$0x6], $0x80, s22, s20, $0xb8;
	[tilespmem:$0x1F580] =	vst v63  }
0x83: {  	_ =	swait.ge [sflag:s29], $0x4000  }
0x84: {  	[sflag:s29] =	ssyncset.done $0x0  }
0x85: {  	[sflag:s29] =	ssyncadd.s32 $0xFFFFC000  }
0x86: {  	_ =	swait.ge [sflag:s2], $0x4000  }
0x87: {  	[sflag:s2] =	ssyncset.done $0x0  }
0x88: {  	s7 =	rddreg [dreg:$0x7];
	[sflag:s2] =	ssyncadd.s32 $0xFFFFC000  }
0x89: {  	[tilespmem:s0], [sflag:$0x7] =	stream.linear.gather [hbm4b:s7+s4], $0x10, $0x38;
	[tilespmem:$0x1F580] =	vst v63  }
0x8a: {  	_ =	swait.ge [sflag:s18], $0x10  }
0x8b: {  	[sflag:s18] =	ssyncset.done $0x0  }
0x8c: {  	s10 =	simm.s32 $0x15F80;
	[sflag:s18] =	ssyncadd.s32 $0xFFFFFFF0  }
0x8d: {  	[tilespmem:s21], [sflag:$0x7] =	stream.indirect.gather [hbm4b:s1+s23], $0x80, s10, s23, $0xb8;
	[tilespmem:$0x1F580] =	vst v63  }
0x8e: {  	_ =	swait.ge [sflag:s18], $0x800  }
0x8f: {  	[sflag:s18] =	ssyncset.done $0x0  }
0x90: {  	[sflag:s18] =	ssyncadd.s32 $0xFFFFF800  }
0x91: {  	[spmem:s3] =	stream.indirect.scatter.add.f32 [tilespmem:s21], [sflag:$0x7], $0x80, s0, s23, $0xb8;
	[tilespmem:$0x1F580] =	vst v63  }
0x92: {  	p0 =	sne.s32 s11, $0x1;
	_ =	swait.ge [sflag:s18], $0x800  }
.Ltmp4:
0x93: {  	s12 =	stileid.u32;
	[sflag:s18] =	ssyncset.done $0x0;
	(pc) =	sbr.rel @!p0 .LBB2_9-.Ltmp4, $4  }
0x94: {  	s13 =	sshrl.u32 s17, $0x3;
	s7 =	sshll.u32 s12, $0x6;
	[sflag:s18] =	ssyncadd.s32 $0xFFFFF800  }
0x95: {  	s12 =	sadd.s32 $0x500, s16;
	s8 =	sor.u32 $0x1C07, s7;
	[bflag:$0x0] =	sbarrier.arrive $0xFFFF  }
0x96: {  	[hbm:s16], [sflag:s8] =	dma.local [spmem:s13], $0x500  }
0x97: {  	s10 =	sadd.s32 $0xFFFFFFFF, s11;
	s13 =	smov.u32 s17;
	_ =	swait.ge [sflag:s18], $0x500  }
.LBB2_8:
0x98: {  	[sflag:s18] =	ssyncset.done $0x0;
	s13 =	sadd.s32 $0x2800, s13;
	p0 =	sne.s32 s10, $0x1  }
.Ltmp5:
0x99: {  	s7 =	sshrl.u32 s13, $0x3;
	[sflag:s18] =	ssyncadd.s32 $0xFFFFFB00;
	(pc) =	sbr.rel @p0 .LBB2_8-.Ltmp5, $3  }
0x9a: {  	[hbm:s12], [sflag:s8] =	dma.local [spmem:s7], $0x500  }
0x9b: {  	s10 =	sadd.s32 $0xFFFFFFFF, s10;
	_ =	sdelay $0x1  }
0x9c: {  	s12 =	sadd.s32 $0x500, s12;
	_ =	swait.ge [sflag:s18], $0x500  }
.LBB2_9:
0x9d: {  	s6 =	sadd.s32 $0x1, s6;
	s7 =	rddreg [dreg:$0x8]  }
0x9e: {  	p0 =	sne.s32 s6, s7  }
.Ltmp6:
0x9f: {  	_ = 	snop;
	(pc) =	sbr.rel @p0 .LBB2_1-.Ltmp6, $3  }
0xa0: {  	_ =	sdelay $0x1  }
0xa1: {  	[sflag:s18] =	ssyncset.done $0x0  }
0xa2: {  	[sflag:s18] =	ssyncadd.s32 $0xFFFFFB00  }
0xa3: {  	_ =	sfence.sel $0x180000  }
0xa4: {  	[bflag:$0x0] =	sbarrier.arrive $0xFFFF  }
0xa5: {  	_ =	strace $0x90000047  }
0xa6: {  	s0 =	stileid.u32;
	[bflag:$0x2] =	sbarrier.arrive $0xFFFF  }
0xa7: {  	p0 =	sne.s32 s0, $0x0;
	s0 =	rddreg [dreg:$0x3]  }
0xa8: {  	s0 =	sadd.s32 @!p0 $0x100000, s0  }
0xa9: {  	[sflag:s0] =	ssyncadd.tile.s32 @!p0 $0x1;
	_ =	shalt  }
.Lfunc_end2:
_tile_overlayer_lowered:
.L_overlay_start_2:
0xaa: {  	(tag) =	ssettag $0x2  }
0xab: {  	s0 =	rddreg [dreg:$0x0];
	s2 =	stileid.u32  }
0xac: {  	s1 =	rddreg [dreg:$0x1];
	p0 =	sne.s32 s2, $0x0  }
0xad: {  	s3 =	rddreg [dreg:$0x2];
	[bflag:$0x3] =	sbarrier.arrive $0xFFFF;
	s2 =	simm.s32 @!p0 $0x1C07  }
0xae: {  	[timem:s3], [sflag:s2] =	dma.local @!p0 [hbm:s0], s1  }
0xaf: {  	s0 =	simm.s32 @!p0 $0x7  }
0xb0: {  	_ =	swait.ge @!p0 [sflag:s0], s1  }
0xb1: {  	s1 =	ssub.s32 @!p0 $0x0, s1;
	[sflag:s0] =	ssyncset.done @!p0 $0x0  }
0xb2: {  	[sflag:s0] =	ssyncadd.s32 @!p0 s1  }
0xb3: {  	[bflag:$0x3] =	sbarrier.arrive $0xFFFF  }
0xb4: {  	_ =	shalt  }

</sc_bundles>
